<compile_context>
chip_gen: v7x
topology: tpu7x:2x2x1
jax: 0.10.2.dev20260603
libtpu: 0.0.44.dev20260713+nightly
codegen_flags: <defaults>
</compile_context>

<pallas_src>
import functools

import jax
import jax.numpy as jnp
from jax import lax
from jax.experimental import pallas as pl
from jax.experimental.pallas import tpu as pltpu
from jax.experimental.pallas import tpu_sc as plsc

VOCAB = 100000
EMBED_DIM = 64
BATCH = 4096

_info = plsc.get_sparse_core_info()
_NC = _info.num_cores
_NS = _info.num_subcores
_L = _info.num_lanes
_NW = _NC * _NS
_BPW = BATCH // _NW
_GROUPS = _BPW // _L
_CHUNKS = EMBED_DIM // _L

_mesh = plsc.VectorSubcoreMesh(core_axis_name="c", subcore_axis_name="s")


@functools.partial(
    pl.kernel,
    mesh=_mesh,
    out_type=jax.ShapeDtypeStruct((_NW * _L,), jnp.float32),
    compiler_params=pltpu.CompilerParams(use_tc_tiling_on_sc=True),
    scratch_types=[
        pltpu.VMEM((_BPW,), jnp.int32),
        pltpu.VMEM((_BPW,), jnp.int32),
        pltpu.VMEM((_BPW, EMBED_DIM), jnp.float32),
        pltpu.VMEM((_BPW, EMBED_DIM), jnp.float32),
        pltpu.VMEM((_L,), jnp.float32),
        pltpu.SemaphoreType.DMA,
        pltpu.SemaphoreType.DMA,
        pltpu.SemaphoreType.DMA,
        pltpu.SemaphoreType.DMA,
    ],
)
def _sc_partial_sumsq(table_hbm, head_hbm, tail_hbm, out_hbm,
                      hidx_v, tidx_v, hrow_v, trow_v, acc_v,
                      sem_h, sem_t, sem_h2, sem_t2):
    wid = lax.axis_index("s") * _NC + lax.axis_index("c")
    base = wid * _BPW
    ci_h = pltpu.async_copy(head_hbm.at[pl.ds(base, _BPW)], hidx_v, sem_h)
    ci_t = pltpu.async_copy(tail_hbm.at[pl.ds(base, _BPW)], tidx_v, sem_t)
    ci_h.wait()
    ci_t.wait()

    half = _GROUPS // 2

    def issue(g, carry):
        hv = hidx_v[pl.ds(g * _L, _L)]
        tv = tidx_v[pl.ds(g * _L, _L)]
        for l in range(_L):
            r = g * _L + l
            pltpu.async_copy(table_hbm.at[pl.ds(hv[l], 1)],
                             hrow_v.at[pl.ds(r, 1)], sem_h)
            pltpu.async_copy(table_hbm.at[pl.ds(tv[l], 1)],
                             trow_v.at[pl.ds(r, 1)], sem_t)
        return carry

    lax.fori_loop(0, half, issue, 0)

    def issue2(g, carry):
        hv = hidx_v[pl.ds(g * _L, _L)]
        tv = tidx_v[pl.ds(g * _L, _L)]
        for l in range(_L):
            r = g * _L + l
            pltpu.async_copy(table_hbm.at[pl.ds(hv[l], 1)],
                             hrow_v.at[pl.ds(r, 1)], sem_h2)
            pltpu.async_copy(table_hbm.at[pl.ds(tv[l], 1)],
                             trow_v.at[pl.ds(r, 1)], sem_t2)
        return carry

    lax.fori_loop(half, _GROUPS, issue2, 0)

    _HB = half * _L

    def body(r2, accs):
        new = list(accs)
        for u in range(2):
            r = r2 * 2 + u
            for c in range(_CHUNKS):
                h = hrow_v[r, pl.ds(c * _L, _L)]
                t = trow_v[r, pl.ds(c * _L, _L)]
                d = h - t
                new[c] = new[c] + d * d
        return tuple(new)

    zero = jnp.zeros((_L,), jnp.float32)

    pltpu.make_async_copy(table_hbm.at[pl.ds(0, _HB)],
                          hrow_v.at[pl.ds(0, _HB)], sem_h).wait()
    pltpu.make_async_copy(table_hbm.at[pl.ds(0, _HB)],
                          trow_v.at[pl.ds(0, _HB)], sem_t).wait()
    accs = lax.fori_loop(0, _HB // 2, body, (zero,) * _CHUNKS)

    pltpu.make_async_copy(table_hbm.at[pl.ds(0, _BPW - _HB)],
                          hrow_v.at[pl.ds(_HB, _BPW - _HB)], sem_h2).wait()
    pltpu.make_async_copy(table_hbm.at[pl.ds(0, _BPW - _HB)],
                          trow_v.at[pl.ds(_HB, _BPW - _HB)], sem_t2).wait()
    accs = lax.fori_loop(_HB // 2, _BPW // 2, body, accs)

    total = accs[0]
    for c in range(1, _CHUNKS):
        total = total + accs[c]
    acc_v[...] = total
    pltpu.sync_copy(acc_v, out_hbm.at[pl.ds(wid * _L, _L)])


def kernel(table, head, tail):
    partials = _sc_partial_sumsq(
        table, head.astype(jnp.int32), tail.astype(jnp.int32))
    return jnp.sqrt(jnp.sum(partials))

# --- scband reference (transcript-rebuilt; emitter-appended) ---
"""Pipeline reference for scband-retrofit-62801011802131 (READ-ONLY COPY).

The authoritative reference and input builder live on the scoring server;
editing this copy changes nothing except your own understanding.
"""

import jax, jax.numpy as jnp
import numpy as np

VOCAB = 100000
EMBED_DIM = 64
BATCH = 4096

def setup_inputs(seed: int = 0) -> dict:
    key = jax.random.key(seed)
    k1, k2, k3 = jax.random.split(key, 3)
    table = jax.random.normal(k1, (VOCAB, EMBED_DIM), dtype=jnp.float32)
    head = jax.random.randint(k2, (BATCH,), 0, VOCAB, dtype=jnp.int64 if jax.config.jax_enable_x64 else jnp.int32)
    tail = jax.random.randint(k3, (BATCH,), 0, VOCAB, dtype=jnp.int64 if jax.config.jax_enable_x64 else jnp.int32)
    return {"table": table, "head": head, "tail": tail}

def reference(table, head, tail):
    # head_embedding = self.embedding_layer[x['head']]
    head_embedding = jnp.take(table, head, axis=0)
    # tail_embedding = self.embedding_layer[x['tail']]
    tail_embedding = jnp.take(table, tail, axis=0)
    # distance = torch.norm(head_embedding - tail_embedding, 2)
    # torch.norm(t, 2) on a matrix flattens -> sqrt(sum of squares) (Frobenius)
    diff = head_embedding - tail_embedding
    distance = jnp.sqrt(jnp.sum(diff * diff))
    return distance

if __name__ == "__main__":
    import jax
    _d = setup_inputs()
    print(jax.jit(kernel)(*tuple(_d.values())))

</pallas_src>

<mosaic_0001>
#map = affine_map<(d0, d1) -> (0, 0)>
#map1 = affine_map<(d0, d1) -> (0)>
module attributes {stable_mosaic.version = 14 : i64} {
  func.func @_sc_partial_sumsq(%arg0: i32, %arg1: i32, %arg2: memref<100000x64xf32, #tpu.memory_space<hbm>>, %arg3: memref<4096xi32, #tpu.memory_space<hbm>>, %arg4: memref<4096xi32, #tpu.memory_space<hbm>>, %arg5: memref<512xf32, #tpu.memory_space<hbm>>, %arg6: memref<128xi32, #tpu.memory_space<vmem>>, %arg7: memref<128xi32, #tpu.memory_space<vmem>>, %arg8: memref<128x64xf32, #tpu.memory_space<vmem>>, %arg9: memref<128x64xf32, #tpu.memory_space<vmem>>, %arg10: memref<16xf32, #tpu.memory_space<vmem>>, %arg11: memref<!tpu.dma_semaphore, #tpu.memory_space<semaphore_mem>>, %arg12: memref<!tpu.dma_semaphore, #tpu.memory_space<semaphore_mem>>, %arg13: memref<!tpu.dma_semaphore, #tpu.memory_space<semaphore_mem>>, %arg14: memref<!tpu.dma_semaphore, #tpu.memory_space<semaphore_mem>>) attributes {dimension_semantics = [#tpu.dimension_semantics<core_parallel>, #tpu.dimension_semantics<subcore_parallel>], iteration_bounds = array<i64: 2, 16>, scalar_prefetch = 0 : i64, scratch_operands = 9 : i64, tpu.core_type = #tpu.core_type<sc_vector_subcore>, window_params = [{transform_indices = #map}, {transform_indices = #map1}, {transform_indices = #map1}, {transform_indices = #map1}]} {
    %mul3A = arith.constant 2 : i32
    %mul3A_0 = arith.muli %arg1, %mul3A : i32
    %add3A = arith.addi %mul3A_0, %arg0 : i32
    %mul3A_1 = arith.constant 128 : i32
    %mul3A_2 = arith.muli %add3A, %mul3A_1 : i32
    %dma_start3A = tpu.memref_slice %arg3[%mul3A_2] : memref<4096xi32, #tpu.memory_space<hbm>> -> memref<128xi32, #tpu.memory_space<hbm>>
    %dma_start3A_3 = tpu.memref_slice %arg3[%mul3A_2] : memref<4096xi32, #tpu.memory_space<hbm>> -> memref<128xi32, #tpu.memory_space<hbm>>
    tpu.enqueue_dma source(%dma_start3A_3 : memref<128xi32, #tpu.memory_space<hbm>>) target(%arg6 : memref<128xi32, #tpu.memory_space<vmem>>) target_semaphore(%arg11 : memref<!tpu.dma_semaphore, #tpu.memory_space<semaphore_mem>>)
    %dma_start3A_4 = tpu.memref_slice %arg4[%mul3A_2] : memref<4096xi32, #tpu.memory_space<hbm>> -> memref<128xi32, #tpu.memory_space<hbm>>
    %dma_start3A_5 = tpu.memref_slice %arg4[%mul3A_2] : memref<4096xi32, #tpu.memory_space<hbm>> -> memref<128xi32, #tpu.memory_space<hbm>>
    tpu.enqueue_dma source(%dma_start3A_5 : memref<128xi32, #tpu.memory_space<hbm>>) target(%arg7 : memref<128xi32, #tpu.memory_space<vmem>>) target_semaphore(%arg12 : memref<!tpu.dma_semaphore, #tpu.memory_space<semaphore_mem>>)
    %dma_wait3A = tpu.memref_slice %arg3[%mul3A_2] : memref<4096xi32, #tpu.memory_space<hbm>> -> memref<128xi32, #tpu.memory_space<hbm>>
    %dma_wait3A_6 = tpu.memref_slice %arg3[%mul3A_2] : memref<4096xi32, #tpu.memory_space<hbm>> -> memref<128xi32, #tpu.memory_space<hbm>>
    tpu.wait_dma2 semaphore(%arg11 : memref<!tpu.dma_semaphore, #tpu.memory_space<semaphore_mem>>) src(%dma_wait3A_6 : memref<128xi32, #tpu.memory_space<hbm>>) dst(%arg6 : memref<128xi32, #tpu.memory_space<vmem>>)
    %dma_wait3A_7 = tpu.memref_slice %arg4[%mul3A_2] : memref<4096xi32, #tpu.memory_space<hbm>> -> memref<128xi32, #tpu.memory_space<hbm>>
    %dma_wait3A_8 = tpu.memref_slice %arg4[%mul3A_2] : memref<4096xi32, #tpu.memory_space<hbm>> -> memref<128xi32, #tpu.memory_space<hbm>>
    tpu.wait_dma2 semaphore(%arg12 : memref<!tpu.dma_semaphore, #tpu.memory_space<semaphore_mem>>) src(%dma_wait3A_8 : memref<128xi32, #tpu.memory_space<hbm>>) dst(%arg7 : memref<128xi32, #tpu.memory_space<vmem>>)
    %scan3A = arith.constant 0 : i32
    %scan3A_9 = arith.constant 0 : i32
    %scan3A_10 = arith.constant 4 : i32
    %scan3A_11 = arith.addi %scan3A_9, %scan3A_10 : i32
    %scan3A_12 = arith.constant 1 : i32
    scf.for %scan3A_89 = %scan3A_9 to %scan3A_11 step %scan3A_12  : i32 {
      %mul3A_90 = arith.constant 16 : i32
      %mul3A_91 = arith.muli %scan3A_89, %mul3A_90 : i32
      %get3A = arith.index_cast %mul3A_91 : i32 to index
      %get3A_92 = tpu.vector_load %arg6[%get3A] {strides = array<i32>} : memref<128xi32, #tpu.memory_space<vmem>>, vector<16xi32>,
      %get3A_93 = vector.shape_cast %get3A_92 : vector<16xi32> to vector<16xi32>
      %mul3A_94 = arith.constant 16 : i32
      %mul3A_95 = arith.muli %scan3A_89, %mul3A_94 : i32
      %get3A_96 = arith.index_cast %mul3A_95 : i32 to index
      %get3A_97 = tpu.vector_load %arg7[%get3A_96] {strides = array<i32>} : memref<128xi32, #tpu.memory_space<vmem>>, vector<16xi32>,
      %get3A_98 = vector.shape_cast %get3A_97 : vector<16xi32> to vector<16xi32>
      %mul3A_99 = arith.constant 16 : i32
      %mul3A_100 = arith.muli %scan3A_89, %mul3A_99 : i32
      %add3A_101 = arith.constant 0 : i32
      %add3A_102 = arith.addi %mul3A_100, %add3A_101 : i32
      %slice3A = vector.extract_strided_slice %get3A_93 {offsets = [0], sizes = [1], strides = [1]} : vector<16xi32> to vector<1xi32>
      %squeeze3A = vector.extract %slice3A[0] : i32 from vector<1xi32>
      %dma_start3A_103 = arith.constant 0 : i32
      %dma_start3A_104 = tpu.memref_slice %arg8[%add3A_102, %dma_start3A_103] : memref<128x64xf32, #tpu.memory_space<vmem>> -> memref<1x64xf32, #tpu.memory_space<vmem>>
      %dma_start3A_105 = arith.constant 0 : i32
      %dma_start3A_106 = tpu.memref_slice %arg2[%squeeze3A, %dma_start3A_105] : memref<100000x64xf32, #tpu.memory_space<hbm>> -> memref<1x64xf32, #tpu.memory_space<hbm>>
      %dma_start3A_107 = arith.constant 0 : i32
      %dma_start3A_108 = tpu.memref_slice %arg8[%add3A_102, %dma_start3A_107] : memref<128x64xf32, #tpu.memory_space<vmem>> -> memref<1x64xf32, #tpu.memory_space<vmem>>
      %dma_start3A_109 = arith.constant 0 : i32
      %dma_start3A_110 = tpu.memref_slice %arg2[%squeeze3A, %dma_start3A_109] : memref<100000x64xf32, #tpu.memory_space<hbm>> -> memref<1x64xf32, #tpu.memory_space<hbm>>
      tpu.enqueue_dma source(%dma_start3A_110 : memref<1x64xf32, #tpu.memory_space<hbm>>) target(%dma_start3A_108 : memref<1x64xf32, #tpu.memory_space<vmem>>) target_semaphore(%arg11 : memref<!tpu.dma_semaphore, #tpu.memory_space<semaphore_mem>>)
      %slice3A_111 = vector.extract_strided_slice %get3A_98 {offsets = [0], sizes = [1], strides = [1]} : vector<16xi32> to vector<1xi32>
      %squeeze3A_112 = vector.extract %slice3A_111[0] : i32 from vector<1xi32>
      %dma_start3A_113 = arith.constant 0 : i32
      %dma_start3A_114 = tpu.memref_slice %arg9[%add3A_102, %dma_start3A_113] : memref<128x64xf32, #tpu.memory_space<vmem>> -> memref<1x64xf32, #tpu.memory_space<vmem>>
      %dma_start3A_115 = arith.constant 0 : i32
      %dma_start3A_116 = tpu.memref_slice %arg2[%squeeze3A_112, %dma_start3A_115] : memref<100000x64xf32, #tpu.memory_space<hbm>> -> memref<1x64xf32, #tpu.memory_space<hbm>>
      %dma_start3A_117 = arith.constant 0 : i32
      %dma_start3A_118 = tpu.memref_slice %arg9[%add3A_102, %dma_start3A_117] : memref<128x64xf32, #tpu.memory_space<vmem>> -> memref<1x64xf32, #tpu.memory_space<vmem>>
      %dma_start3A_119 = arith.constant 0 : i32
      %dma_start3A_120 = tpu.memref_slice %arg2[%squeeze3A_112, %dma_start3A_119] : memref<100000x64xf32, #tpu.memory_space<hbm>> -> memref<1x64xf32, #tpu.memory_space<hbm>>
      tpu.enqueue_dma source(%dma_start3A_120 : memref<1x64xf32, #tpu.memory_space<hbm>>) target(%dma_start3A_118 : memref<1x64xf32, #tpu.memory_space<vmem>>) target_semaphore(%arg12 : memref<!tpu.dma_semaphore, #tpu.memory_space<semaphore_mem>>)
      %mul3A_121 = arith.constant 16 : i32
      %mul3A_122 = arith.muli %scan3A_89, %mul3A_121 : i32
      %add3A_123 = arith.constant 1 : i32
      %add3A_124 = arith.addi %mul3A_122, %add3A_123 : i32
      %slice3A_125 = vector.extract_strided_slice %get3A_93 {offsets = [1], sizes = [1], strides = [1]} : vector<16xi32> to vector<1xi32>
      %squeeze3A_126 = vector.extract %slice3A_125[0] : i32 from vector<1xi32>
      %dma_start3A_127 = arith.constant 0 : i32
      %dma_start3A_128 = tpu.memref_slice %arg8[%add3A_124, %dma_start3A_127] : memref<128x64xf32, #tpu.memory_space<vmem>> -> memref<1x64xf32, #tpu.memory_space<vmem>>
      %dma_start3A_129 = arith.constant 0 : i32
      %dma_start3A_130 = tpu.memref_slice %arg2[%squeeze3A_126, %dma_start3A_129] : memref<100000x64xf32, #tpu.memory_space<hbm>> -> memref<1x64xf32, #tpu.memory_space<hbm>>
      %dma_start3A_131 = arith.constant 0 : i32
      %dma_start3A_132 = tpu.memref_slice %arg8[%add3A_124, %dma_start3A_131] : memref<128x64xf32, #tpu.memory_space<vmem>> -> memref<1x64xf32, #tpu.memory_space<vmem>>
      %dma_start3A_133 = arith.constant 0 : i32
      %dma_start3A_134 = tpu.memref_slice %arg2[%squeeze3A_126, %dma_start3A_133] : memref<100000x64xf32, #tpu.memory_space<hbm>> -> memref<1x64xf32, #tpu.memory_space<hbm>>
      tpu.enqueue_dma source(%dma_start3A_134 : memref<1x64xf32, #tpu.memory_space<hbm>>) target(%dma_start3A_132 : memref<1x64xf32, #tpu.memory_space<vmem>>) target_semaphore(%arg11 : memref<!tpu.dma_semaphore, #tpu.memory_space<semaphore_mem>>)
      %slice3A_135 = vector.extract_strided_slice %get3A_98 {offsets = [1], sizes = [1], strides = [1]} : vector<16xi32> to vector<1xi32>
      %squeeze3A_136 = vector.extract %slice3A_135[0] : i32 from vector<1xi32>
      %dma_start3A_137 = arith.constant 0 : i32
      %dma_start3A_138 = tpu.memref_slice %arg9[%add3A_124, %dma_start3A_137] : memref<128x64xf32, #tpu.memory_space<vmem>> -> memref<1x64xf32, #tpu.memory_space<vmem>>
      %dma_start3A_139 = arith.constant 0 : i32
      %dma_start3A_140 = tpu.memref_slice %arg2[%squeeze3A_136, %dma_start3A_139] : memref<100000x64xf32, #tpu.memory_space<hbm>> -> memref<1x64xf32, #tpu.memory_space<hbm>>
      %dma_start3A_141 = arith.constant 0 : i32
      %dma_start3A_142 = tpu.memref_slice %arg9[%add3A_124, %dma_start3A_141] : memref<128x64xf32, #tpu.memory_space<vmem>> -> memref<1x64xf32, #tpu.memory_space<vmem>>
      %dma_start3A_143 = arith.constant 0 : i32
      %dma_start3A_144 = tpu.memref_slice %arg2[%squeeze3A_136, %dma_start3A_143] : memref<100000x64xf32, #tpu.memory_space<hbm>> -> memref<1x64xf32, #tpu.memory_space<hbm>>
      tpu.enqueue_dma source(%dma_start3A_144 : memref<1x64xf32, #tpu.memory_space<hbm>>) target(%dma_start3A_142 : memref<1x64xf32, #tpu.memory_space<vmem>>) target_semaphore(%arg12 : memref<!tpu.dma_semaphore, #tpu.memory_space<semaphore_mem>>)
      %mul3A_145 = arith.constant 16 : i32
      %mul3A_146 = arith.muli %scan3A_89, %mul3A_145 : i32
      %add3A_147 = arith.constant 2 : i32
      %add3A_148 = arith.addi %mul3A_146, %add3A_147 : i32
      %slice3A_149 = vector.extract_strided_slice %get3A_93 {offsets = [2], sizes = [1], strides = [1]} : vector<16xi32> to vector<1xi32>
      %squeeze3A_150 = vector.extract %slice3A_149[0] : i32 from vector<1xi32>
      %dma_start3A_151 = arith.constant 0 : i32
      %dma_start3A_152 = tpu.memref_slice %arg8[%add3A_148, %dma_start3A_151] : memref<128x64xf32, #tpu.memory_space<vmem>> -> memref<1x64xf32, #tpu.memory_space<vmem>>
      %dma_start3A_153 = arith.constant 0 : i32
      %dma_start3A_154 = tpu.memref_slice %arg2[%squeeze3A_150, %dma_start3A_153] : memref<100000x64xf32, #tpu.memory_space<hbm>> -> memref<1x64xf32, #tpu.memory_space<hbm>>
      %dma_start3A_155 = arith.constant 0 : i32
      %dma_start3A_156 = tpu.memref_slice %arg8[%add3A_148, %dma_start3A_155] : memref<128x64xf32, #tpu.memory_space<vmem>> -> memref<1x64xf32, #tpu.memory_space<vmem>>
      %dma_start3A_157 = arith.constant 0 : i32
      %dma_start3A_158 = tpu.memref_slice %arg2[%squeeze3A_150, %dma_start3A_157] : memref<100000x64xf32, #tpu.memory_space<hbm>> -> memref<1x64xf32, #tpu.memory_space<hbm>>
      tpu.enqueue_dma source(%dma_start3A_158 : memref<1x64xf32, #tpu.memory_space<hbm>>) target(%dma_start3A_156 : memref<1x64xf32, #tpu.memory_space<vmem>>) target_semaphore(%arg11 : memref<!tpu.dma_semaphore, #tpu.memory_space<semaphore_mem>>)
      %slice3A_159 = vector.extract_strided_slice %get3A_98 {offsets = [2], sizes = [1], strides = [1]} : vector<16xi32> to vector<1xi32>
      %squeeze3A_160 = vector.extract %slice3A_159[0] : i32 from vector<1xi32>
      %dma_start3A_161 = arith.constant 0 : i32
      %dma_start3A_162 = tpu.memref_slice %arg9[%add3A_148, %dma_start3A_161] : memref<128x64xf32, #tpu.memory_space<vmem>> -> memref<1x64xf32, #tpu.memory_space<vmem>>
      %dma_start3A_163 = arith.constant 0 : i32
      %dma_start3A_164 = tpu.memref_slice %arg2[%squeeze3A_160, %dma_start3A_163] : memref<100000x64xf32, #tpu.memory_space<hbm>> -> memref<1x64xf32, #tpu.memory_space<hbm>>
      %dma_start3A_165 = arith.constant 0 : i32
      %dma_start3A_166 = tpu.memref_slice %arg9[%add3A_148, %dma_start3A_165] : memref<128x64xf32, #tpu.memory_space<vmem>> -> memref<1x64xf32, #tpu.memory_space<vmem>>
      %dma_start3A_167 = arith.constant 0 : i32
      %dma_start3A_168 = tpu.memref_slice %arg2[%squeeze3A_160, %dma_start3A_167] : memref<100000x64xf32, #tpu.memory_space<hbm>> -> memref<1x64xf32, #tpu.memory_space<hbm>>
      tpu.enqueue_dma source(%dma_start3A_168 : memref<1x64xf32, #tpu.memory_space<hbm>>) target(%dma_start3A_166 : memref<1x64xf32, #tpu.memory_space<vmem>>) target_semaphore(%arg12 : memref<!tpu.dma_semaphore, #tpu.memory_space<semaphore_mem>>)
      %mul3A_169 = arith.constant 16 : i32
      %mul3A_170 = arith.muli %scan3A_89, %mul3A_169 : i32
      %add3A_171 = arith.constant 3 : i32
      %add3A_172 = arith.addi %mul3A_170, %add3A_171 : i32
      %slice3A_173 = vector.extract_strided_slice %get3A_93 {offsets = [3], sizes = [1], strides = [1]} : vector<16xi32> to vector<1xi32>
      %squeeze3A_174 = vector.extract %slice3A_173[0] : i32 from vector<1xi32>
      %dma_start3A_175 = arith.constant 0 : i32
      %dma_start3A_176 = tpu.memref_slice %arg8[%add3A_172, %dma_start3A_175] : memref<128x64xf32, #tpu.memory_space<vmem>> -> memref<1x64xf32, #tpu.memory_space<vmem>>
      %dma_start3A_177 = arith.constant 0 : i32
      %dma_start3A_178 = tpu.memref_slice %arg2[%squeeze3A_174, %dma_start3A_177] : memref<100000x64xf32, #tpu.memory_space<hbm>> -> memref<1x64xf32, #tpu.memory_space<hbm>>
      %dma_start3A_179 = arith.constant 0 : i32
      %dma_start3A_180 = tpu.memref_slice %arg8[%add3A_172, %dma_start3A_179] : memref<128x64xf32, #tpu.memory_space<vmem>> -> memref<1x64xf32, #tpu.memory_space<vmem>>
      %dma_start3A_181 = arith.constant 0 : i32
      %dma_start3A_182 = tpu.memref_slice %arg2[%squeeze3A_174, %dma_start3A_181] : memref<100000x64xf32, #tpu.memory_space<hbm>> -> memref<1x64xf32, #tpu.memory_space<hbm>>
      tpu.enqueue_dma source(%dma_start3A_182 : memref<1x64xf32, #tpu.memory_space<hbm>>) target(%dma_start3A_180 : memref<1x64xf32, #tpu.memory_space<vmem>>) target_semaphore(%arg11 : memref<!tpu.dma_semaphore, #tpu.memory_space<semaphore_mem>>)
      %slice3A_183 = vector.extract_strided_slice %get3A_98 {offsets = [3], sizes = [1], strides = [1]} : vector<16xi32> to vector<1xi32>
      %squeeze3A_184 = vector.extract %slice3A_183[0] : i32 from vector<1xi32>
      %dma_start3A_185 = arith.constant 0 : i32
      %dma_start3A_186 = tpu.memref_slice %arg9[%add3A_172, %dma_start3A_185] : memref<128x64xf32, #tpu.memory_space<vmem>> -> memref<1x64xf32, #tpu.memory_space<vmem>>
      %dma_start3A_187 = arith.constant 0 : i32
      %dma_start3A_188 = tpu.memref_slice %arg2[%squeeze3A_184, %dma_start3A_187] : memref<100000x64xf32, #tpu.memory_space<hbm>> -> memref<1x64xf32, #tpu.memory_space<hbm>>
      %dma_start3A_189 = arith.constant 0 : i32
      %dma_start3A_190 = tpu.memref_slice %arg9[%add3A_172, %dma_start3A_189] : memref<128x64xf32, #tpu.memory_space<vmem>> -> memref<1x64xf32, #tpu.memory_space<vmem>>
      %dma_start3A_191 = arith.constant 0 : i32
      %dma_start3A_192 = tpu.memref_slice %arg2[%squeeze3A_184, %dma_start3A_191] : memref<100000x64xf32, #tpu.memory_space<hbm>> -> memref<1x64xf32, #tpu.memory_space<hbm>>
      tpu.enqueue_dma source(%dma_start3A_192 : memref<1x64xf32, #tpu.memory_space<hbm>>) target(%dma_start3A_190 : memref<1x64xf32, #tpu.memory_space<vmem>>) target_semaphore(%arg12 : memref<!tpu.dma_semaphore, #tpu.memory_space<semaphore_mem>>)
      %mul3A_193 = arith.constant 16 : i32
      %mul3A_194 = arith.muli %scan3A_89, %mul3A_193 : i32
      %add3A_195 = arith.constant 4 : i32
      %add3A_196 = arith.addi %mul3A_194, %add3A_195 : i32
      %slice3A_197 = vector.extract_strided_slice %get3A_93 {offsets = [4], sizes = [1], strides = [1]} : vector<16xi32> to vector<1xi32>
      %squeeze3A_198 = vector.extract %slice3A_197[0] : i32 from vector<1xi32>
      %dma_start3A_199 = arith.constant 0 : i32
      %dma_start3A_200 = tpu.memref_slice %arg8[%add3A_196, %dma_start3A_199] : memref<128x64xf32, #tpu.memory_space<vmem>> -> memref<1x64xf32, #tpu.memory_space<vmem>>
      %dma_start3A_201 = arith.constant 0 : i32
      %dma_start3A_202 = tpu.memref_slice %arg2[%squeeze3A_198, %dma_start3A_201] : memref<100000x64xf32, #tpu.memory_space<hbm>> -> memref<1x64xf32, #tpu.memory_space<hbm>>
      %dma_start3A_203 = arith.constant 0 : i32
      %dma_start3A_204 = tpu.memref_slice %arg8[%add3A_196, %dma_start3A_203] : memref<128x64xf32, #tpu.memory_space<vmem>> -> memref<1x64xf32, #tpu.memory_space<vmem>>
      %dma_start3A_205 = arith.constant 0 : i32
      %dma_start3A_206 = tpu.memref_slice %arg2[%squeeze3A_198, %dma_start3A_205] : memref<100000x64xf32, #tpu.memory_space<hbm>> -> memref<1x64xf32, #tpu.memory_space<hbm>>
      tpu.enqueue_dma source(%dma_start3A_206 : memref<1x64xf32, #tpu.memory_space<hbm>>) target(%dma_start3A_204 : memref<1x64xf32, #tpu.memory_space<vmem>>) target_semaphore(%arg11 : memref<!tpu.dma_semaphore, #tpu.memory_space<semaphore_mem>>)
      %slice3A_207 = vector.extract_strided_slice %get3A_98 {offsets = [4], sizes = [1], strides = [1]} : vector<16xi32> to vector<1xi32>
      %squeeze3A_208 = vector.extract %slice3A_207[0] : i32 from vector<1xi32>
      %dma_start3A_209 = arith.constant 0 : i32
      %dma_start3A_210 = tpu.memref_slice %arg9[%add3A_196, %dma_start3A_209] : memref<128x64xf32, #tpu.memory_space<vmem>> -> memref<1x64xf32, #tpu.memory_space<vmem>>
      %dma_start3A_211 = arith.constant 0 : i32
      %dma_start3A_212 = tpu.memref_slice %arg2[%squeeze3A_208, %dma_start3A_211] : memref<100000x64xf32, #tpu.memory_space<hbm>> -> memref<1x64xf32, #tpu.memory_space<hbm>>
      %dma_start3A_213 = arith.constant 0 : i32
      %dma_start3A_214 = tpu.memref_slice %arg9[%add3A_196, %dma_start3A_213] : memref<128x64xf32, #tpu.memory_space<vmem>> -> memref<1x64xf32, #tpu.memory_space<vmem>>
      %dma_start3A_215 = arith.constant 0 : i32
      %dma_start3A_216 = tpu.memref_slice %arg2[%squeeze3A_208, %dma_start3A_215] : memref<100000x64xf32, #tpu.memory_space<hbm>> -> memref<1x64xf32, #tpu.memory_space<hbm>>
      tpu.enqueue_dma source(%dma_start3A_216 : memref<1x64xf32, #tpu.memory_space<hbm>>) target(%dma_start3A_214 : memref<1x64xf32, #tpu.memory_space<vmem>>) target_semaphore(%arg12 : memref<!tpu.dma_semaphore, #tpu.memory_space<semaphore_mem>>)
      %mul3A_217 = arith.constant 16 : i32
      %mul3A_218 = arith.muli %scan3A_89, %mul3A_217 : i32
      %add3A_219 = arith.constant 5 : i32
      %add3A_220 = arith.addi %mul3A_218, %add3A_219 : i32
      %slice3A_221 = vector.extract_strided_slice %get3A_93 {offsets = [5], sizes = [1], strides = [1]} : vector<16xi32> to vector<1xi32>
      %squeeze3A_222 = vector.extract %slice3A_221[0] : i32 from vector<1xi32>
      %dma_start3A_223 = arith.constant 0 : i32
      %dma_start3A_224 = tpu.memref_slice %arg8[%add3A_220, %dma_start3A_223] : memref<128x64xf32, #tpu.memory_space<vmem>> -> memref<1x64xf32, #tpu.memory_space<vmem>>
      %dma_start3A_225 = arith.constant 0 : i32
      %dma_start3A_226 = tpu.memref_slice %arg2[%squeeze3A_222, %dma_start3A_225] : memref<100000x64xf32, #tpu.memory_space<hbm>> -> memref<1x64xf32, #tpu.memory_space<hbm>>
      %dma_start3A_227 = arith.constant 0 : i32
      %dma_start3A_228 = tpu.memref_slice %arg8[%add3A_220, %dma_start3A_227] : memref<128x64xf32, #tpu.memory_space<vmem>> -> memref<1x64xf32, #tpu.memory_space<vmem>>
      %dma_start3A_229 = arith.constant 0 : i32
      %dma_start3A_230 = tpu.memref_slice %arg2[%squeeze3A_222, %dma_start3A_229] : memref<100000x64xf32, #tpu.memory_space<hbm>> -> memref<1x64xf32, #tpu.memory_space<hbm>>
      tpu.enqueue_dma source(%dma_start3A_230 : memref<1x64xf32, #tpu.memory_space<hbm>>) target(%dma_start3A_228 : memref<1x64xf32, #tpu.memory_space<vmem>>) target_semaphore(%arg11 : memref<!tpu.dma_semaphore, #tpu.memory_space<semaphore_mem>>)
      %slice3A_231 = vector.extract_strided_slice %get3A_98 {offsets = [5], sizes = [1], strides = [1]} : vector<16xi32> to vector<1xi32>
      %squeeze3A_232 = vector.extract %slice3A_231[0] : i32 from vector<1xi32>
      %dma_start3A_233 = arith.constant 0 : i32
      %dma_start3A_234 = tpu.memref_slice %arg9[%add3A_220, %dma_start3A_233] : memref<128x64xf32, #tpu.memory_space<vmem>> -> memref<1x64xf32, #tpu.memory_space<vmem>>
      %dma_start3A_235 = arith.constant 0 : i32
      %dma_start3A_236 = tpu.memref_slice %arg2[%squeeze3A_232, %dma_start3A_235] : memref<100000x64xf32, #tpu.memory_space<hbm>> -> memref<1x64xf32, #tpu.memory_space<hbm>>
      %dma_start3A_237 = arith.constant 0 : i32
      %dma_start3A_238 = tpu.memref_slice %arg9[%add3A_220, %dma_start3A_237] : memref<128x64xf32, #tpu.memory_space<vmem>> -> memref<1x64xf32, #tpu.memory_space<vmem>>
      %dma_start3A_239 = arith.constant 0 : i32
      %dma_start3A_240 = tpu.memref_slice %arg2[%squeeze3A_232, %dma_start3A_239] : memref<100000x64xf32, #tpu.memory_space<hbm>> -> memref<1x64xf32, #tpu.memory_space<hbm>>
      tpu.enqueue_dma source(%dma_start3A_240 : memref<1x64xf32, #tpu.memory_space<hbm>>) target(%dma_start3A_238 : memref<1x64xf32, #tpu.memory_space<vmem>>) target_semaphore(%arg12 : memref<!tpu.dma_semaphore, #tpu.memory_space<semaphore_mem>>)
      %mul3A_241 = arith.constant 16 : i32
      %mul3A_242 = arith.muli %scan3A_89, %mul3A_241 : i32
      %add3A_243 = arith.constant 6 : i32
      %add3A_244 = arith.addi %mul3A_242, %add3A_243 : i32
      %slice3A_245 = vector.extract_strided_slice %get3A_93 {offsets = [6], sizes = [1], strides = [1]} : vector<16xi32> to vector<1xi32>
      %squeeze3A_246 = vector.extract %slice3A_245[0] : i32 from vector<1xi32>
      %dma_start3A_247 = arith.constant 0 : i32
      %dma_start3A_248 = tpu.memref_slice %arg8[%add3A_244, %dma_start3A_247] : memref<128x64xf32, #tpu.memory_space<vmem>> -> memref<1x64xf32, #tpu.memory_space<vmem>>
      %dma_start3A_249 = arith.constant 0 : i32
      %dma_start3A_250 = tpu.memref_slice %arg2[%squeeze3A_246, %dma_start3A_249] : memref<100000x64xf32, #tpu.memory_space<hbm>> -> memref<1x64xf32, #tpu.memory_space<hbm>>
      %dma_start3A_251 = arith.constant 0 : i32
      %dma_start3A_252 = tpu.memref_slice %arg8[%add3A_244, %dma_start3A_251] : memref<128x64xf32, #tpu.memory_space<vmem>> -> memref<1x64xf32, #tpu.memory_space<vmem>>
      %dma_start3A_253 = arith.constant 0 : i32
      %dma_start3A_254 = tpu.memref_slice %arg2[%squeeze3A_246, %dma_start3A_253] : memref<100000x64xf32, #tpu.memory_space<hbm>> -> memref<1x64xf32, #tpu.memory_space<hbm>>
      tpu.enqueue_dma source(%dma_start3A_254 : memref<1x64xf32, #tpu.memory_space<hbm>>) target(%dma_start3A_252 : memref<1x64xf32, #tpu.memory_space<vmem>>) target_semaphore(%arg11 : memref<!tpu.dma_semaphore, #tpu.memory_space<semaphore_mem>>)
      %slice3A_255 = vector.extract_strided_slice %get3A_98 {offsets = [6], sizes = [1], strides = [1]} : vector<16xi32> to vector<1xi32>
      %squeeze3A_256 = vector.extract %slice3A_255[0] : i32 from vector<1xi32>
      %dma_start3A_257 = arith.constant 0 : i32
      %dma_start3A_258 = tpu.memref_slice %arg9[%add3A_244, %dma_start3A_257] : memref<128x64xf32, #tpu.memory_space<vmem>> -> memref<1x64xf32, #tpu.memory_space<vmem>>
      %dma_start3A_259 = arith.constant 0 : i32
      %dma_start3A_260 = tpu.memref_slice %arg2[%squeeze3A_256, %dma_start3A_259] : memref<100000x64xf32, #tpu.memory_space<hbm>> -> memref<1x64xf32, #tpu.memory_space<hbm>>
      %dma_start3A_261 = arith.constant 0 : i32
      %dma_start3A_262 = tpu.memref_slice %arg9[%add3A_244, %dma_start3A_261] : memref<128x64xf32, #tpu.memory_space<vmem>> -> memref<1x64xf32, #tpu.memory_space<vmem>>
      %dma_start3A_263 = arith.constant 0 : i32
      %dma_start3A_264 = tpu.memref_slice %arg2[%squeeze3A_256, %dma_start3A_263] : memref<100000x64xf32, #tpu.memory_space<hbm>> -> memref<1x64xf32, #tpu.memory_space<hbm>>
      tpu.enqueue_dma source(%dma_start3A_264 : memref<1x64xf32, #tpu.memory_space<hbm>>) target(%dma_start3A_262 : memref<1x64xf32, #tpu.memory_space<vmem>>) target_semaphore(%arg12 : memref<!tpu.dma_semaphore, #tpu.memory_space<semaphore_mem>>)
      %mul3A_265 = arith.constant 16 : i32
      %mul3A_266 = arith.muli %scan3A_89, %mul3A_265 : i32
      %add3A_267 = arith.constant 7 : i32
      %add3A_268 = arith.addi %mul3A_266, %add3A_267 : i32
      %slice3A_269 = vector.extract_strided_slice %get3A_93 {offsets = [7], sizes = [1], strides = [1]} : vector<16xi32> to vector<1xi32>
      %squeeze3A_270 = vector.extract %slice3A_269[0] : i32 from vector<1xi32>
      %dma_start3A_271 = arith.constant 0 : i32
      %dma_start3A_272 = tpu.memref_slice %arg8[%add3A_268, %dma_start3A_271] : memref<128x64xf32, #tpu.memory_space<vmem>> -> memref<1x64xf32, #tpu.memory_space<vmem>>
      %dma_start3A_273 = arith.constant 0 : i32
      %dma_start3A_274 = tpu.memref_slice %arg2[%squeeze3A_270, %dma_start3A_273] : memref<100000x64xf32, #tpu.memory_space<hbm>> -> memref<1x64xf32, #tpu.memory_space<hbm>>
      %dma_start3A_275 = arith.constant 0 : i32
      %dma_start3A_276 = tpu.memref_slice %arg8[%add3A_268, %dma_start3A_275] : memref<128x64xf32, #tpu.memory_space<vmem>> -> memref<1x64xf32, #tpu.memory_space<vmem>>
      %dma_start3A_277 = arith.constant 0 : i32
      %dma_start3A_278 = tpu.memref_slice %arg2[%squeeze3A_270, %dma_start3A_277] : memref<100000x64xf32, #tpu.memory_space<hbm>> -> memref<1x64xf32, #tpu.memory_space<hbm>>
      tpu.enqueue_dma source(%dma_start3A_278 : memref<1x64xf32, #tpu.memory_space<hbm>>) target(%dma_start3A_276 : memref<1x64xf32, #tpu.memory_space<vmem>>) target_semaphore(%arg11 : memref<!tpu.dma_semaphore, #tpu.memory_space<semaphore_mem>>)
      %slice3A_279 = vector.extract_strided_slice %get3A_98 {offsets = [7], sizes = [1], strides = [1]} : vector<16xi32> to vector<1xi32>
      %squeeze3A_280 = vector.extract %slice3A_279[0] : i32 from vector<1xi32>
      %dma_start3A_281 = arith.constant 0 : i32
      %dma_start3A_282 = tpu.memref_slice %arg9[%add3A_268, %dma_start3A_281] : memref<128x64xf32, #tpu.memory_space<vmem>> -> memref<1x64xf32, #tpu.memory_space<vmem>>
      %dma_start3A_283 = arith.constant 0 : i32
      %dma_start3A_284 = tpu.memref_slice %arg2[%squeeze3A_280, %dma_start3A_283] : memref<100000x64xf32, #tpu.memory_space<hbm>> -> memref<1x64xf32, #tpu.memory_space<hbm>>
      %dma_start3A_285 = arith.constant 0 : i32
      %dma_start3A_286 = tpu.memref_slice %arg9[%add3A_268, %dma_start3A_285] : memref<128x64xf32, #tpu.memory_space<vmem>> -> memref<1x64xf32, #tpu.memory_space<vmem>>
      %dma_start3A_287 = arith.constant 0 : i32
      %dma_start3A_288 = tpu.memref_slice %arg2[%squeeze3A_280, %dma_start3A_287] : memref<100000x64xf32, #tpu.memory_space<hbm>> -> memref<1x64xf32, #tpu.memory_space<hbm>>
      tpu.enqueue_dma source(%dma_start3A_288 : memref<1x64xf32, #tpu.memory_space<hbm>>) target(%dma_start3A_286 : memref<1x64xf32, #tpu.memory_space<vmem>>) target_semaphore(%arg12 : memref<!tpu.dma_semaphore, #tpu.memory_space<semaphore_mem>>)
      %mul3A_289 = arith.constant 16 : i32
      %mul3A_290 = arith.muli %scan3A_89, %mul3A_289 : i32
      %add3A_291 = arith.constant 8 : i32
      %add3A_292 = arith.addi %mul3A_290, %add3A_291 : i32
      %slice3A_293 = vector.extract_strided_slice %get3A_93 {offsets = [8], sizes = [1], strides = [1]} : vector<16xi32> to vector<1xi32>
      %squeeze3A_294 = vector.extract %slice3A_293[0] : i32 from vector<1xi32>
      %dma_start3A_295 = arith.constant 0 : i32
      %dma_start3A_296 = tpu.memref_slice %arg8[%add3A_292, %dma_start3A_295] : memref<128x64xf32, #tpu.memory_space<vmem>> -> memref<1x64xf32, #tpu.memory_space<vmem>>
      %dma_start3A_297 = arith.constant 0 : i32
      %dma_start3A_298 = tpu.memref_slice %arg2[%squeeze3A_294, %dma_start3A_297] : memref<100000x64xf32, #tpu.memory_space<hbm>> -> memref<1x64xf32, #tpu.memory_space<hbm>>
      %dma_start3A_299 = arith.constant 0 : i32
      %dma_start3A_300 = tpu.memref_slice %arg8[%add3A_292, %dma_start3A_299] : memref<128x64xf32, #tpu.memory_space<vmem>> -> memref<1x64xf32, #tpu.memory_space<vmem>>
      %dma_start3A_301 = arith.constant 0 : i32
      %dma_start3A_302 = tpu.memref_slice %arg2[%squeeze3A_294, %dma_start3A_301] : memref<100000x64xf32, #tpu.memory_space<hbm>> -> memref<1x64xf32, #tpu.memory_space<hbm>>
      tpu.enqueue_dma source(%dma_start3A_302 : memref<1x64xf32, #tpu.memory_space<hbm>>) target(%dma_start3A_300 : memref<1x64xf32, #tpu.memory_space<vmem>>) target_semaphore(%arg11 : memref<!tpu.dma_semaphore, #tpu.memory_space<semaphore_mem>>)
      %slice3A_303 = vector.extract_strided_slice %get3A_98 {offsets = [8], sizes = [1], strides = [1]} : vector<16xi32> to vector<1xi32>
      %squeeze3A_304 = vector.extract %slice3A_303[0] : i32 from vector<1xi32>
      %dma_start3A_305 = arith.constant 0 : i32
      %dma_start3A_306 = tpu.memref_slice %arg9[%add3A_292, %dma_start3A_305] : memref<128x64xf32, #tpu.memory_space<vmem>> -> memref<1x64xf32, #tpu.memory_space<vmem>>
      %dma_start3A_307 = arith.constant 0 : i32
      %dma_start3A_308 = tpu.memref_slice %arg2[%squeeze3A_304, %dma_start3A_307] : memref<100000x64xf32, #tpu.memory_space<hbm>> -> memref<1x64xf32, #tpu.memory_space<hbm>>
      %dma_start3A_309 = arith.constant 0 : i32
      %dma_start3A_310 = tpu.memref_slice %arg9[%add3A_292, %dma_start3A_309] : memref<128x64xf32, #tpu.memory_space<vmem>> -> memref<1x64xf32, #tpu.memory_space<vmem>>
      %dma_start3A_311 = arith.constant 0 : i32
      %dma_start3A_312 = tpu.memref_slice %arg2[%squeeze3A_304, %dma_start3A_311] : memref<100000x64xf32, #tpu.memory_space<hbm>> -> memref<1x64xf32, #tpu.memory_space<hbm>>
      tpu.enqueue_dma source(%dma_start3A_312 : memref<1x64xf32, #tpu.memory_space<hbm>>) target(%dma_start3A_310 : memref<1x64xf32, #tpu.memory_space<vmem>>) target_semaphore(%arg12 : memref<!tpu.dma_semaphore, #tpu.memory_space<semaphore_mem>>)
      %mul3A_313 = arith.constant 16 : i32
      %mul3A_314 = arith.muli %scan3A_89, %mul3A_313 : i32
      %add3A_315 = arith.constant 9 : i32
      %add3A_316 = arith.addi %mul3A_314, %add3A_315 : i32
      %slice3A_317 = vector.extract_strided_slice %get3A_93 {offsets = [9], sizes = [1], strides = [1]} : vector<16xi32> to vector<1xi32>
      %squeeze3A_318 = vector.extract %slice3A_317[0] : i32 from vector<1xi32>
      %dma_start3A_319 = arith.constant 0 : i32
      %dma_start3A_320 = tpu.memref_slice %arg8[%add3A_316, %dma_start3A_319] : memref<128x64xf32, #tpu.memory_space<vmem>> -> memref<1x64xf32, #tpu.memory_space<vmem>>
      %dma_start3A_321 = arith.constant 0 : i32
      %dma_start3A_322 = tpu.memref_slice %arg2[%squeeze3A_318, %dma_start3A_321] : memref<100000x64xf32, #tpu.memory_space<hbm>> -> memref<1x64xf32, #tpu.memory_space<hbm>>
      %dma_start3A_323 = arith.constant 0 : i32
      %dma_start3A_324 = tpu.memref_slice %arg8[%add3A_316, %dma_start3A_323] : memref<128x64xf32, #tpu.memory_space<vmem>> -> memref<1x64xf32, #tpu.memory_space<vmem>>
      %dma_start3A_325 = arith.constant 0 : i32
      %dma_start3A_326 = tpu.memref_slice %arg2[%squeeze3A_318, %dma_start3A_325] : memref<100000x64xf32, #tpu.memory_space<hbm>> -> memref<1x64xf32, #tpu.memory_space<hbm>>
      tpu.enqueue_dma source(%dma_start3A_326 : memref<1x64xf32, #tpu.memory_space<hbm>>) target(%dma_start3A_324 : memref<1x64xf32, #tpu.memory_space<vmem>>) target_semaphore(%arg11 : memref<!tpu.dma_semaphore, #tpu.memory_space<semaphore_mem>>)
      %slice3A_327 = vector.extract_strided_slice %get3A_98 {offsets = [9], sizes = [1], strides = [1]} : vector<16xi32> to vector<1xi32>
      %squeeze3A_328 = vector.extract %slice3A_327[0] : i32 from vector<1xi32>
      %dma_start3A_329 = arith.constant 0 : i32
      %dma_start3A_330 = tpu.memref_slice %arg9[%add3A_316, %dma_start3A_329] : memref<128x64xf32, #tpu.memory_space<vmem>> -> memref<1x64xf32, #tpu.memory_space<vmem>>
      %dma_start3A_331 = arith.constant 0 : i32
      %dma_start3A_332 = tpu.memref_slice %arg2[%squeeze3A_328, %dma_start3A_331] : memref<100000x64xf32, #tpu.memory_space<hbm>> -> memref<1x64xf32, #tpu.memory_space<hbm>>
      %dma_start3A_333 = arith.constant 0 : i32
      %dma_start3A_334 = tpu.memref_slice %arg9[%add3A_316, %dma_start3A_333] : memref<128x64xf32, #tpu.memory_space<vmem>> -> memref<1x64xf32, #tpu.memory_space<vmem>>
      %dma_start3A_335 = arith.constant 0 : i32
      %dma_start3A_336 = tpu.memref_slice %arg2[%squeeze3A_328, %dma_start3A_335] : memref<100000x64xf32, #tpu.memory_space<hbm>> -> memref<1x64xf32, #tpu.memory_space<hbm>>
      tpu.enqueue_dma source(%dma_start3A_336 : memref<1x64xf32, #tpu.memory_space<hbm>>) target(%dma_start3A_334 : memref<1x64xf32, #tpu.memory_space<vmem>>) target_semaphore(%arg12 : memref<!tpu.dma_semaphore, #tpu.memory_space<semaphore_mem>>)
      %mul3A_337 = arith.constant 16 : i32
      %mul3A_338 = arith.muli %scan3A_89, %mul3A_337 : i32
      %add3A_339 = arith.constant 10 : i32
      %add3A_340 = arith.addi %mul3A_338, %add3A_339 : i32
      %slice3A_341 = vector.extract_strided_slice %get3A_93 {offsets = [10], sizes = [1], strides = [1]} : vector<16xi32> to vector<1xi32>
      %squeeze3A_342 = vector.extract %slice3A_341[0] : i32 from vector<1xi32>
      %dma_start3A_343 = arith.constant 0 : i32
      %dma_start3A_344 = tpu.memref_slice %arg8[%add3A_340, %dma_start3A_343] : memref<128x64xf32, #tpu.memory_space<vmem>> -> memref<1x64xf32, #tpu.memory_space<vmem>>
      %dma_start3A_345 = arith.constant 0 : i32
      %dma_start3A_346 = tpu.memref_slice %arg2[%squeeze3A_342, %dma_start3A_345] : memref<100000x64xf32, #tpu.memory_space<hbm>> -> memref<1x64xf32, #tpu.memory_space<hbm>>
      %dma_start3A_347 = arith.constant 0 : i32
      %dma_start3A_348 = tpu.memref_slice %arg8[%add3A_340, %dma_start3A_347] : memref<128x64xf32, #tpu.memory_space<vmem>> -> memref<1x64xf32, #tpu.memory_space<vmem>>
      %dma_start3A_349 = arith.constant 0 : i32
      %dma_start3A_350 = tpu.memref_slice %arg2[%squeeze3A_342, %dma_start3A_349] : memref<100000x64xf32, #tpu.memory_space<hbm>> -> memref<1x64xf32, #tpu.memory_space<hbm>>
      tpu.enqueue_dma source(%dma_start3A_350 : memref<1x64xf32, #tpu.memory_space<hbm>>) target(%dma_start3A_348 : memref<1x64xf32, #tpu.memory_space<vmem>>) target_semaphore(%arg11 : memref<!tpu.dma_semaphore, #tpu.memory_space<semaphore_mem>>)
      %slice3A_351 = vector.extract_strided_slice %get3A_98 {offsets = [10], sizes = [1], strides = [1]} : vector<16xi32> to vector<1xi32>
      %squeeze3A_352 = vector.extract %slice3A_351[0] : i32 from vector<1xi32>
      %dma_start3A_353 = arith.constant 0 : i32
      %dma_start3A_354 = tpu.memref_slice %arg9[%add3A_340, %dma_start3A_353] : memref<128x64xf32, #tpu.memory_space<vmem>> -> memref<1x64xf32, #tpu.memory_space<vmem>>
      %dma_start3A_355 = arith.constant 0 : i32
      %dma_start3A_356 = tpu.memref_slice %arg2[%squeeze3A_352, %dma_start3A_355] : memref<100000x64xf32, #tpu.memory_space<hbm>> -> memref<1x64xf32, #tpu.memory_space<hbm>>
      %dma_start3A_357 = arith.constant 0 : i32
      %dma_start3A_358 = tpu.memref_slice %arg9[%add3A_340, %dma_start3A_357] : memref<128x64xf32, #tpu.memory_space<vmem>> -> memref<1x64xf32, #tpu.memory_space<vmem>>
      %dma_start3A_359 = arith.constant 0 : i32
      %dma_start3A_360 = tpu.memref_slice %arg2[%squeeze3A_352, %dma_start3A_359] : memref<100000x64xf32, #tpu.memory_space<hbm>> -> memref<1x64xf32, #tpu.memory_space<hbm>>
      tpu.enqueue_dma source(%dma_start3A_360 : memref<1x64xf32, #tpu.memory_space<hbm>>) target(%dma_start3A_358 : memref<1x64xf32, #tpu.memory_space<vmem>>) target_semaphore(%arg12 : memref<!tpu.dma_semaphore, #tpu.memory_space<semaphore_mem>>)
      %mul3A_361 = arith.constant 16 : i32
      %mul3A_362 = arith.muli %scan3A_89, %mul3A_361 : i32
      %add3A_363 = arith.constant 11 : i32
      %add3A_364 = arith.addi %mul3A_362, %add3A_363 : i32
      %slice3A_365 = vector.extract_strided_slice %get3A_93 {offsets = [11], sizes = [1], strides = [1]} : vector<16xi32> to vector<1xi32>
      %squeeze3A_366 = vector.extract %slice3A_365[0] : i32 from vector<1xi32>
      %dma_start3A_367 = arith.constant 0 : i32
      %dma_start3A_368 = tpu.memref_slice %arg8[%add3A_364, %dma_start3A_367] : memref<128x64xf32, #tpu.memory_space<vmem>> -> memref<1x64xf32, #tpu.memory_space<vmem>>
      %dma_start3A_369 = arith.constant 0 : i32
      %dma_start3A_370 = tpu.memref_slice %arg2[%squeeze3A_366, %dma_start3A_369] : memref<100000x64xf32, #tpu.memory_space<hbm>> -> memref<1x64xf32, #tpu.memory_space<hbm>>
      %dma_start3A_371 = arith.constant 0 : i32
      %dma_start3A_372 = tpu.memref_slice %arg8[%add3A_364, %dma_start3A_371] : memref<128x64xf32, #tpu.memory_space<vmem>> -> memref<1x64xf32, #tpu.memory_space<vmem>>
      %dma_start3A_373 = arith.constant 0 : i32
      %dma_start3A_374 = tpu.memref_slice %arg2[%squeeze3A_366, %dma_start3A_373] : memref<100000x64xf32, #tpu.memory_space<hbm>> -> memref<1x64xf32, #tpu.memory_space<hbm>>
      tpu.enqueue_dma source(%dma_start3A_374 : memref<1x64xf32, #tpu.memory_space<hbm>>) target(%dma_start3A_372 : memref<1x64xf32, #tpu.memory_space<vmem>>) target_semaphore(%arg11 : memref<!tpu.dma_semaphore, #tpu.memory_space<semaphore_mem>>)
      %slice3A_375 = vector.extract_strided_slice %get3A_98 {offsets = [11], sizes = [1], strides = [1]} : vector<16xi32> to vector<1xi32>
      %squeeze3A_376 = vector.extract %slice3A_375[0] : i32 from vector<1xi32>
      %dma_start3A_377 = arith.constant 0 : i32
      %dma_start3A_378 = tpu.memref_slice %arg9[%add3A_364, %dma_start3A_377] : memref<128x64xf32, #tpu.memory_space<vmem>> -> memref<1x64xf32, #tpu.memory_space<vmem>>
      %dma_start3A_379 = arith.constant 0 : i32
      %dma_start3A_380 = tpu.memref_slice %arg2[%squeeze3A_376, %dma_start3A_379] : memref<100000x64xf32, #tpu.memory_space<hbm>> -> memref<1x64xf32, #tpu.memory_space<hbm>>
      %dma_start3A_381 = arith.constant 0 : i32
      %dma_start3A_382 = tpu.memref_slice %arg9[%add3A_364, %dma_start3A_381] : memref<128x64xf32, #tpu.memory_space<vmem>> -> memref<1x64xf32, #tpu.memory_space<vmem>>
      %dma_start3A_383 = arith.constant 0 : i32
      %dma_start3A_384 = tpu.memref_slice %arg2[%squeeze3A_376, %dma_start3A_383] : memref<100000x64xf32, #tpu.memory_space<hbm>> -> memref<1x64xf32, #tpu.memory_space<hbm>>
      tpu.enqueue_dma source(%dma_start3A_384 : memref<1x64xf32, #tpu.memory_space<hbm>>) target(%dma_start3A_382 : memref<1x64xf32, #tpu.memory_space<vmem>>) target_semaphore(%arg12 : memref<!tpu.dma_semaphore, #tpu.memory_space<semaphore_mem>>)
      %mul3A_385 = arith.constant 16 : i32
      %mul3A_386 = arith.muli %scan3A_89, %mul3A_385 : i32
      %add3A_387 = arith.constant 12 : i32
      %add3A_388 = arith.addi %mul3A_386, %add3A_387 : i32
      %slice3A_389 = vector.extract_strided_slice %get3A_93 {offsets = [12], sizes = [1], strides = [1]} : vector<16xi32> to vector<1xi32>
      %squeeze3A_390 = vector.extract %slice3A_389[0] : i32 from vector<1xi32>
      %dma_start3A_391 = arith.constant 0 : i32
      %dma_start3A_392 = tpu.memref_slice %arg8[%add3A_388, %dma_start3A_391] : memref<128x64xf32, #tpu.memory_space<vmem>> -> memref<1x64xf32, #tpu.memory_space<vmem>>
      %dma_start3A_393 = arith.constant 0 : i32
      %dma_start3A_394 = tpu.memref_slice %arg2[%squeeze3A_390, %dma_start3A_393] : memref<100000x64xf32, #tpu.memory_space<hbm>> -> memref<1x64xf32, #tpu.memory_space<hbm>>
      %dma_start3A_395 = arith.constant 0 : i32
      %dma_start3A_396 = tpu.memref_slice %arg8[%add3A_388, %dma_start3A_395] : memref<128x64xf32, #tpu.memory_space<vmem>> -> memref<1x64xf32, #tpu.memory_space<vmem>>
      %dma_start3A_397 = arith.constant 0 : i32
      %dma_start3A_398 = tpu.memref_slice %arg2[%squeeze3A_390, %dma_start3A_397] : memref<100000x64xf32, #tpu.memory_space<hbm>> -> memref<1x64xf32, #tpu.memory_space<hbm>>
      tpu.enqueue_dma source(%dma_start3A_398 : memref<1x64xf32, #tpu.memory_space<hbm>>) target(%dma_start3A_396 : memref<1x64xf32, #tpu.memory_space<vmem>>) target_semaphore(%arg11 : memref<!tpu.dma_semaphore, #tpu.memory_space<semaphore_mem>>)
      %slice3A_399 = vector.extract_strided_slice %get3A_98 {offsets = [12], sizes = [1], strides = [1]} : vector<16xi32> to vector<1xi32>
      %squeeze3A_400 = vector.extract %slice3A_399[0] : i32 from vector<1xi32>
      %dma_start3A_401 = arith.constant 0 : i32
      %dma_start3A_402 = tpu.memref_slice %arg9[%add3A_388, %dma_start3A_401] : memref<128x64xf32, #tpu.memory_space<vmem>> -> memref<1x64xf32, #tpu.memory_space<vmem>>
      %dma_start3A_403 = arith.constant 0 : i32
      %dma_start3A_404 = tpu.memref_slice %arg2[%squeeze3A_400, %dma_start3A_403] : memref<100000x64xf32, #tpu.memory_space<hbm>> -> memref<1x64xf32, #tpu.memory_space<hbm>>
      %dma_start3A_405 = arith.constant 0 : i32
      %dma_start3A_406 = tpu.memref_slice %arg9[%add3A_388, %dma_start3A_405] : memref<128x64xf32, #tpu.memory_space<vmem>> -> memref<1x64xf32, #tpu.memory_space<vmem>>
      %dma_start3A_407 = arith.constant 0 : i32
      %dma_start3A_408 = tpu.memref_slice %arg2[%squeeze3A_400, %dma_start3A_407] : memref<100000x64xf32, #tpu.memory_space<hbm>> -> memref<1x64xf32, #tpu.memory_space<hbm>>
      tpu.enqueue_dma source(%dma_start3A_408 : memref<1x64xf32, #tpu.memory_space<hbm>>) target(%dma_start3A_406 : memref<1x64xf32, #tpu.memory_space<vmem>>) target_semaphore(%arg12 : memref<!tpu.dma_semaphore, #tpu.memory_space<semaphore_mem>>)
      %mul3A_409 = arith.constant 16 : i32
      %mul3A_410 = arith.muli %scan3A_89, %mul3A_409 : i32
      %add3A_411 = arith.constant 13 : i32
      %add3A_412 = arith.addi %mul3A_410, %add3A_411 : i32
      %slice3A_413 = vector.extract_strided_slice %get3A_93 {offsets = [13], sizes = [1], strides = [1]} : vector<16xi32> to vector<1xi32>
      %squeeze3A_414 = vector.extract %slice3A_413[0] : i32 from vector<1xi32>
      %dma_start3A_415 = arith.constant 0 : i32
      %dma_start3A_416 = tpu.memref_slice %arg8[%add3A_412, %dma_start3A_415] : memref<128x64xf32, #tpu.memory_space<vmem>> -> memref<1x64xf32, #tpu.memory_space<vmem>>
      %dma_start3A_417 = arith.constant 0 : i32
      %dma_start3A_418 = tpu.memref_slice %arg2[%squeeze3A_414, %dma_start3A_417] : memref<100000x64xf32, #tpu.memory_space<hbm>> -> memref<1x64xf32, #tpu.memory_space<hbm>>
      %dma_start3A_419 = arith.constant 0 : i32
      %dma_start3A_420 = tpu.memref_slice %arg8[%add3A_412, %dma_start3A_419] : memref<128x64xf32, #tpu.memory_space<vmem>> -> memref<1x64xf32, #tpu.memory_space<vmem>>
      %dma_start3A_421 = arith.constant 0 : i32
      %dma_start3A_422 = tpu.memref_slice %arg2[%squeeze3A_414, %dma_start3A_421] : memref<100000x64xf32, #tpu.memory_space<hbm>> -> memref<1x64xf32, #tpu.memory_space<hbm>>
      tpu.enqueue_dma source(%dma_start3A_422 : memref<1x64xf32, #tpu.memory_space<hbm>>) target(%dma_start3A_420 : memref<1x64xf32, #tpu.memory_space<vmem>>) target_semaphore(%arg11 : memref<!tpu.dma_semaphore, #tpu.memory_space<semaphore_mem>>)
      %slice3A_423 = vector.extract_strided_slice %get3A_98 {offsets = [13], sizes = [1], strides = [1]} : vector<16xi32> to vector<1xi32>
      %squeeze3A_424 = vector.extract %slice3A_423[0] : i32 from vector<1xi32>
      %dma_start3A_425 = arith.constant 0 : i32
      %dma_start3A_426 = tpu.memref_slice %arg9[%add3A_412, %dma_start3A_425] : memref<128x64xf32, #tpu.memory_space<vmem>> -> memref<1x64xf32, #tpu.memory_space<vmem>>
      %dma_start3A_427 = arith.constant 0 : i32
      %dma_start3A_428 = tpu.memref_slice %arg2[%squeeze3A_424, %dma_start3A_427] : memref<100000x64xf32, #tpu.memory_space<hbm>> -> memref<1x64xf32, #tpu.memory_space<hbm>>
      %dma_start3A_429 = arith.constant 0 : i32
      %dma_start3A_430 = tpu.memref_slice %arg9[%add3A_412, %dma_start3A_429] : memref<128x64xf32, #tpu.memory_space<vmem>> -> memref<1x64xf32, #tpu.memory_space<vmem>>
      %dma_start3A_431 = arith.constant 0 : i32
      %dma_start3A_432 = tpu.memref_slice %arg2[%squeeze3A_424, %dma_start3A_431] : memref<100000x64xf32, #tpu.memory_space<hbm>> -> memref<1x64xf32, #tpu.memory_space<hbm>>
      tpu.enqueue_dma source(%dma_start3A_432 : memref<1x64xf32, #tpu.memory_space<hbm>>) target(%dma_start3A_430 : memref<1x64xf32, #tpu.memory_space<vmem>>) target_semaphore(%arg12 : memref<!tpu.dma_semaphore, #tpu.memory_space<semaphore_mem>>)
      %mul3A_433 = arith.constant 16 : i32
      %mul3A_434 = arith.muli %scan3A_89, %mul3A_433 : i32
      %add3A_435 = arith.constant 14 : i32
      %add3A_436 = arith.addi %mul3A_434, %add3A_435 : i32
      %slice3A_437 = vector.extract_strided_slice %get3A_93 {offsets = [14], sizes = [1], strides = [1]} : vector<16xi32> to vector<1xi32>
      %squeeze3A_438 = vector.extract %slice3A_437[0] : i32 from vector<1xi32>
      %dma_start3A_439 = arith.constant 0 : i32
      %dma_start3A_440 = tpu.memref_slice %arg8[%add3A_436, %dma_start3A_439] : memref<128x64xf32, #tpu.memory_space<vmem>> -> memref<1x64xf32, #tpu.memory_space<vmem>>
      %dma_start3A_441 = arith.constant 0 : i32
      %dma_start3A_442 = tpu.memref_slice %arg2[%squeeze3A_438, %dma_start3A_441] : memref<100000x64xf32, #tpu.memory_space<hbm>> -> memref<1x64xf32, #tpu.memory_space<hbm>>
      %dma_start3A_443 = arith.constant 0 : i32
      %dma_start3A_444 = tpu.memref_slice %arg8[%add3A_436, %dma_start3A_443] : memref<128x64xf32, #tpu.memory_space<vmem>> -> memref<1x64xf32, #tpu.memory_space<vmem>>
      %dma_start3A_445 = arith.constant 0 : i32
      %dma_start3A_446 = tpu.memref_slice %arg2[%squeeze3A_438, %dma_start3A_445] : memref<100000x64xf32, #tpu.memory_space<hbm>> -> memref<1x64xf32, #tpu.memory_space<hbm>>
      tpu.enqueue_dma source(%dma_start3A_446 : memref<1x64xf32, #tpu.memory_space<hbm>>) target(%dma_start3A_444 : memref<1x64xf32, #tpu.memory_space<vmem>>) target_semaphore(%arg11 : memref<!tpu.dma_semaphore, #tpu.memory_space<semaphore_mem>>)
      %slice3A_447 = vector.extract_strided_slice %get3A_98 {offsets = [14], sizes = [1], strides = [1]} : vector<16xi32> to vector<1xi32>
      %squeeze3A_448 = vector.extract %slice3A_447[0] : i32 from vector<1xi32>
      %dma_start3A_449 = arith.constant 0 : i32
      %dma_start3A_450 = tpu.memref_slice %arg9[%add3A_436, %dma_start3A_449] : memref<128x64xf32, #tpu.memory_space<vmem>> -> memref<1x64xf32, #tpu.memory_space<vmem>>
      %dma_start3A_451 = arith.constant 0 : i32
      %dma_start3A_452 = tpu.memref_slice %arg2[%squeeze3A_448, %dma_start3A_451] : memref<100000x64xf32, #tpu.memory_space<hbm>> -> memref<1x64xf32, #tpu.memory_space<hbm>>
      %dma_start3A_453 = arith.constant 0 : i32
      %dma_start3A_454 = tpu.memref_slice %arg9[%add3A_436, %dma_start3A_453] : memref<128x64xf32, #tpu.memory_space<vmem>> -> memref<1x64xf32, #tpu.memory_space<vmem>>
      %dma_start3A_455 = arith.constant 0 : i32
      %dma_start3A_456 = tpu.memref_slice %arg2[%squeeze3A_448, %dma_start3A_455] : memref<100000x64xf32, #tpu.memory_space<hbm>> -> memref<1x64xf32, #tpu.memory_space<hbm>>
      tpu.enqueue_dma source(%dma_start3A_456 : memref<1x64xf32, #tpu.memory_space<hbm>>) target(%dma_start3A_454 : memref<1x64xf32, #tpu.memory_space<vmem>>) target_semaphore(%arg12 : memref<!tpu.dma_semaphore, #tpu.memory_space<semaphore_mem>>)
      %mul3A_457 = arith.constant 16 : i32
      %mul3A_458 = arith.muli %scan3A_89, %mul3A_457 : i32
      %add3A_459 = arith.constant 15 : i32
      %add3A_460 = arith.addi %mul3A_458, %add3A_459 : i32
      %slice3A_461 = vector.extract_strided_slice %get3A_93 {offsets = [15], sizes = [1], strides = [1]} : vector<16xi32> to vector<1xi32>
      %squeeze3A_462 = vector.extract %slice3A_461[0] : i32 from vector<1xi32>
      %dma_start3A_463 = arith.constant 0 : i32
      %dma_start3A_464 = tpu.memref_slice %arg8[%add3A_460, %dma_start3A_463] : memref<128x64xf32, #tpu.memory_space<vmem>> -> memref<1x64xf32, #tpu.memory_space<vmem>>
      %dma_start3A_465 = arith.constant 0 : i32
      %dma_start3A_466 = tpu.memref_slice %arg2[%squeeze3A_462, %dma_start3A_465] : memref<100000x64xf32, #tpu.memory_space<hbm>> -> memref<1x64xf32, #tpu.memory_space<hbm>>
      %dma_start3A_467 = arith.constant 0 : i32
      %dma_start3A_468 = tpu.memref_slice %arg8[%add3A_460, %dma_start3A_467] : memref<128x64xf32, #tpu.memory_space<vmem>> -> memref<1x64xf32, #tpu.memory_space<vmem>>
      %dma_start3A_469 = arith.constant 0 : i32
      %dma_start3A_470 = tpu.memref_slice %arg2[%squeeze3A_462, %dma_start3A_469] : memref<100000x64xf32, #tpu.memory_space<hbm>> -> memref<1x64xf32, #tpu.memory_space<hbm>>
      tpu.enqueue_dma source(%dma_start3A_470 : memref<1x64xf32, #tpu.memory_space<hbm>>) target(%dma_start3A_468 : memref<1x64xf32, #tpu.memory_space<vmem>>) target_semaphore(%arg11 : memref<!tpu.dma_semaphore, #tpu.memory_space<semaphore_mem>>)
      %slice3A_471 = vector.extract_strided_slice %get3A_98 {offsets = [15], sizes = [1], strides = [1]} : vector<16xi32> to vector<1xi32>
      %squeeze3A_472 = vector.extract %slice3A_471[0] : i32 from vector<1xi32>
      %dma_start3A_473 = arith.constant 0 : i32
      %dma_start3A_474 = tpu.memref_slice %arg9[%add3A_460, %dma_start3A_473] : memref<128x64xf32, #tpu.memory_space<vmem>> -> memref<1x64xf32, #tpu.memory_space<vmem>>
      %dma_start3A_475 = arith.constant 0 : i32
      %dma_start3A_476 = tpu.memref_slice %arg2[%squeeze3A_472, %dma_start3A_475] : memref<100000x64xf32, #tpu.memory_space<hbm>> -> memref<1x64xf32, #tpu.memory_space<hbm>>
      %dma_start3A_477 = arith.constant 0 : i32
      %dma_start3A_478 = tpu.memref_slice %arg9[%add3A_460, %dma_start3A_477] : memref<128x64xf32, #tpu.memory_space<vmem>> -> memref<1x64xf32, #tpu.memory_space<vmem>>
      %dma_start3A_479 = arith.constant 0 : i32
      %dma_start3A_480 = tpu.memref_slice %arg2[%squeeze3A_472, %dma_start3A_479] : memref<100000x64xf32, #tpu.memory_space<hbm>> -> memref<1x64xf32, #tpu.memory_space<hbm>>
      tpu.enqueue_dma source(%dma_start3A_480 : memref<1x64xf32, #tpu.memory_space<hbm>>) target(%dma_start3A_478 : memref<1x64xf32, #tpu.memory_space<vmem>>) target_semaphore(%arg12 : memref<!tpu.dma_semaphore, #tpu.memory_space<semaphore_mem>>)
    }
    %scan3A_13 = arith.constant 4 : i32
    %scan3A_14 = arith.constant 0 : i32
    %scan3A_15 = arith.constant 4 : i32
    %scan3A_16 = arith.constant 4 : i32
    %scan3A_17 = arith.addi %scan3A_15, %scan3A_16 : i32
    %scan3A_18 = arith.constant 1 : i32
    scf.for %scan3A_89 = %scan3A_15 to %scan3A_17 step %scan3A_18  : i32 {
      %mul3A_90 = arith.constant 16 : i32
      %mul3A_91 = arith.muli %scan3A_89, %mul3A_90 : i32
      %get3A = arith.index_cast %mul3A_91 : i32 to index
      %get3A_92 = tpu.vector_load %arg6[%get3A] {strides = array<i32>} : memref<128xi32, #tpu.memory_space<vmem>>, vector<16xi32>,
      %get3A_93 = vector.shape_cast %get3A_92 : vector<16xi32> to vector<16xi32>
      %mul3A_94 = arith.constant 16 : i32
      %mul3A_95 = arith.muli %scan3A_89, %mul3A_94 : i32
      %get3A_96 = arith.index_cast %mul3A_95 : i32 to index
      %get3A_97 = tpu.vector_load %arg7[%get3A_96] {strides = array<i32>} : memref<128xi32, #tpu.memory_space<vmem>>, vector<16xi32>,
      %get3A_98 = vector.shape_cast %get3A_97 : vector<16xi32> to vector<16xi32>
      %mul3A_99 = arith.constant 16 : i32
      %mul3A_100 = arith.muli %scan3A_89, %mul3A_99 : i32
      %add3A_101 = arith.constant 0 : i32
      %add3A_102 = arith.addi %mul3A_100, %add3A_101 : i32
      %slice3A = vector.extract_strided_slice %get3A_93 {offsets = [0], sizes = [1], strides = [1]} : vector<16xi32> to vector<1xi32>
      %squeeze3A = vector.extract %slice3A[0] : i32 from vector<1xi32>
      %dma_start3A_103 = arith.constant 0 : i32
      %dma_start3A_104 = tpu.memref_slice %arg8[%add3A_102, %dma_start3A_103] : memref<128x64xf32, #tpu.memory_space<vmem>> -> memref<1x64xf32, #tpu.memory_space<vmem>>
      %dma_start3A_105 = arith.constant 0 : i32
      %dma_start3A_106 = tpu.memref_slice %arg2[%squeeze3A, %dma_start3A_105] : memref<100000x64xf32, #tpu.memory_space<hbm>> -> memref<1x64xf32, #tpu.memory_space<hbm>>
      %dma_start3A_107 = arith.constant 0 : i32
      %dma_start3A_108 = tpu.memref_slice %arg8[%add3A_102, %dma_start3A_107] : memref<128x64xf32, #tpu.memory_space<vmem>> -> memref<1x64xf32, #tpu.memory_space<vmem>>
      %dma_start3A_109 = arith.constant 0 : i32
      %dma_start3A_110 = tpu.memref_slice %arg2[%squeeze3A, %dma_start3A_109] : memref<100000x64xf32, #tpu.memory_space<hbm>> -> memref<1x64xf32, #tpu.memory_space<hbm>>
      tpu.enqueue_dma source(%dma_start3A_110 : memref<1x64xf32, #tpu.memory_space<hbm>>) target(%dma_start3A_108 : memref<1x64xf32, #tpu.memory_space<vmem>>) target_semaphore(%arg13 : memref<!tpu.dma_semaphore, #tpu.memory_space<semaphore_mem>>)
      %slice3A_111 = vector.extract_strided_slice %get3A_98 {offsets = [0], sizes = [1], strides = [1]} : vector<16xi32> to vector<1xi32>
      %squeeze3A_112 = vector.extract %slice3A_111[0] : i32 from vector<1xi32>
      %dma_start3A_113 = arith.constant 0 : i32
      %dma_start3A_114 = tpu.memref_slice %arg9[%add3A_102, %dma_start3A_113] : memref<128x64xf32, #tpu.memory_space<vmem>> -> memref<1x64xf32, #tpu.memory_space<vmem>>
      %dma_start3A_115 = arith.constant 0 : i32
      %dma_start3A_116 = tpu.memref_slice %arg2[%squeeze3A_112, %dma_start3A_115] : memref<100000x64xf32, #tpu.memory_space<hbm>> -> memref<1x64xf32, #tpu.memory_space<hbm>>
      %dma_start3A_117 = arith.constant 0 : i32
      %dma_start3A_118 = tpu.memref_slice %arg9[%add3A_102, %dma_start3A_117] : memref<128x64xf32, #tpu.memory_space<vmem>> -> memref<1x64xf32, #tpu.memory_space<vmem>>
      %dma_start3A_119 = arith.constant 0 : i32
      %dma_start3A_120 = tpu.memref_slice %arg2[%squeeze3A_112, %dma_start3A_119] : memref<100000x64xf32, #tpu.memory_space<hbm>> -> memref<1x64xf32, #tpu.memory_space<hbm>>
      tpu.enqueue_dma source(%dma_start3A_120 : memref<1x64xf32, #tpu.memory_space<hbm>>) target(%dma_start3A_118 : memref<1x64xf32, #tpu.memory_space<vmem>>) target_semaphore(%arg14 : memref<!tpu.dma_semaphore, #tpu.memory_space<semaphore_mem>>)
      %mul3A_121 = arith.constant 16 : i32
      %mul3A_122 = arith.muli %scan3A_89, %mul3A_121 : i32
      %add3A_123 = arith.constant 1 : i32
      %add3A_124 = arith.addi %mul3A_122, %add3A_123 : i32
      %slice3A_125 = vector.extract_strided_slice %get3A_93 {offsets = [1], sizes = [1], strides = [1]} : vector<16xi32> to vector<1xi32>
      %squeeze3A_126 = vector.extract %slice3A_125[0] : i32 from vector<1xi32>
      %dma_start3A_127 = arith.constant 0 : i32
      %dma_start3A_128 = tpu.memref_slice %arg8[%add3A_124, %dma_start3A_127] : memref<128x64xf32, #tpu.memory_space<vmem>> -> memref<1x64xf32, #tpu.memory_space<vmem>>
      %dma_start3A_129 = arith.constant 0 : i32
      %dma_start3A_130 = tpu.memref_slice %arg2[%squeeze3A_126, %dma_start3A_129] : memref<100000x64xf32, #tpu.memory_space<hbm>> -> memref<1x64xf32, #tpu.memory_space<hbm>>
      %dma_start3A_131 = arith.constant 0 : i32
      %dma_start3A_132 = tpu.memref_slice %arg8[%add3A_124, %dma_start3A_131] : memref<128x64xf32, #tpu.memory_space<vmem>> -> memref<1x64xf32, #tpu.memory_space<vmem>>
      %dma_start3A_133 = arith.constant 0 : i32
      %dma_start3A_134 = tpu.memref_slice %arg2[%squeeze3A_126, %dma_start3A_133] : memref<100000x64xf32, #tpu.memory_space<hbm>> -> memref<1x64xf32, #tpu.memory_space<hbm>>
      tpu.enqueue_dma source(%dma_start3A_134 : memref<1x64xf32, #tpu.memory_space<hbm>>) target(%dma_start3A_132 : memref<1x64xf32, #tpu.memory_space<vmem>>) target_semaphore(%arg13 : memref<!tpu.dma_semaphore, #tpu.memory_space<semaphore_mem>>)
      %slice3A_135 = vector.extract_strided_slice %get3A_98 {offsets = [1], sizes = [1], strides = [1]} : vector<16xi32> to vector<1xi32>
      %squeeze3A_136 = vector.extract %slice3A_135[0] : i32 from vector<1xi32>
      %dma_start3A_137 = arith.constant 0 : i32
      %dma_start3A_138 = tpu.memref_slice %arg9[%add3A_124, %dma_start3A_137] : memref<128x64xf32, #tpu.memory_space<vmem>> -> memref<1x64xf32, #tpu.memory_space<vmem>>
      %dma_start3A_139 = arith.constant 0 : i32
      %dma_start3A_140 = tpu.memref_slice %arg2[%squeeze3A_136, %dma_start3A_139] : memref<100000x64xf32, #tpu.memory_space<hbm>> -> memref<1x64xf32, #tpu.memory_space<hbm>>
      %dma_start3A_141 = arith.constant 0 : i32
      %dma_start3A_142 = tpu.memref_slice %arg9[%add3A_124, %dma_start3A_141] : memref<128x64xf32, #tpu.memory_space<vmem>> -> memref<1x64xf32, #tpu.memory_space<vmem>>
      %dma_start3A_143 = arith.constant 0 : i32
      %dma_start3A_144 = tpu.memref_slice %arg2[%squeeze3A_136, %dma_start3A_143] : memref<100000x64xf32, #tpu.memory_space<hbm>> -> memref<1x64xf32, #tpu.memory_space<hbm>>
      tpu.enqueue_dma source(%dma_start3A_144 : memref<1x64xf32, #tpu.memory_space<hbm>>) target(%dma_start3A_142 : memref<1x64xf32, #tpu.memory_space<vmem>>) target_semaphore(%arg14 : memref<!tpu.dma_semaphore, #tpu.memory_space<semaphore_mem>>)
      %mul3A_145 = arith.constant 16 : i32
      %mul3A_146 = arith.muli %scan3A_89, %mul3A_145 : i32
      %add3A_147 = arith.constant 2 : i32
      %add3A_148 = arith.addi %mul3A_146, %add3A_147 : i32
      %slice3A_149 = vector.extract_strided_slice %get3A_93 {offsets = [2], sizes = [1], strides = [1]} : vector<16xi32> to vector<1xi32>
      %squeeze3A_150 = vector.extract %slice3A_149[0] : i32 from vector<1xi32>
      %dma_start3A_151 = arith.constant 0 : i32
      %dma_start3A_152 = tpu.memref_slice %arg8[%add3A_148, %dma_start3A_151] : memref<128x64xf32, #tpu.memory_space<vmem>> -> memref<1x64xf32, #tpu.memory_space<vmem>>
      %dma_start3A_153 = arith.constant 0 : i32
      %dma_start3A_154 = tpu.memref_slice %arg2[%squeeze3A_150, %dma_start3A_153] : memref<100000x64xf32, #tpu.memory_space<hbm>> -> memref<1x64xf32, #tpu.memory_space<hbm>>
      %dma_start3A_155 = arith.constant 0 : i32
      %dma_start3A_156 = tpu.memref_slice %arg8[%add3A_148, %dma_start3A_155] : memref<128x64xf32, #tpu.memory_space<vmem>> -> memref<1x64xf32, #tpu.memory_space<vmem>>
      %dma_start3A_157 = arith.constant 0 : i32
      %dma_start3A_158 = tpu.memref_slice %arg2[%squeeze3A_150, %dma_start3A_157] : memref<100000x64xf32, #tpu.memory_space<hbm>> -> memref<1x64xf32, #tpu.memory_space<hbm>>
      tpu.enqueue_dma source(%dma_start3A_158 : memref<1x64xf32, #tpu.memory_space<hbm>>) target(%dma_start3A_156 : memref<1x64xf32, #tpu.memory_space<vmem>>) target_semaphore(%arg13 : memref<!tpu.dma_semaphore, #tpu.memory_space<semaphore_mem>>)
      %slice3A_159 = vector.extract_strided_slice %get3A_98 {offsets = [2], sizes = [1], strides = [1]} : vector<16xi32> to vector<1xi32>
      %squeeze3A_160 = vector.extract %slice3A_159[0] : i32 from vector<1xi32>
      %dma_start3A_161 = arith.constant 0 : i32
      %dma_start3A_162 = tpu.memref_slice %arg9[%add3A_148, %dma_start3A_161] : memref<128x64xf32, #tpu.memory_space<vmem>> -> memref<1x64xf32, #tpu.memory_space<vmem>>
      %dma_start3A_163 = arith.constant 0 : i32
      %dma_start3A_164 = tpu.memref_slice %arg2[%squeeze3A_160, %dma_start3A_163] : memref<100000x64xf32, #tpu.memory_space<hbm>> -> memref<1x64xf32, #tpu.memory_space<hbm>>
      %dma_start3A_165 = arith.constant 0 : i32
      %dma_start3A_166 = tpu.memref_slice %arg9[%add3A_148, %dma_start3A_165] : memref<128x64xf32, #tpu.memory_space<vmem>> -> memref<1x64xf32, #tpu.memory_space<vmem>>
      %dma_start3A_167 = arith.constant 0 : i32
      %dma_start3A_168 = tpu.memref_slice %arg2[%squeeze3A_160, %dma_start3A_167] : memref<100000x64xf32, #tpu.memory_space<hbm>> -> memref<1x64xf32, #tpu.memory_space<hbm>>
      tpu.enqueue_dma source(%dma_start3A_168 : memref<1x64xf32, #tpu.memory_space<hbm>>) target(%dma_start3A_166 : memref<1x64xf32, #tpu.memory_space<vmem>>) target_semaphore(%arg14 : memref<!tpu.dma_semaphore, #tpu.memory_space<semaphore_mem>>)
      %mul3A_169 = arith.constant 16 : i32
      %mul3A_170 = arith.muli %scan3A_89, %mul3A_169 : i32
      %add3A_171 = arith.constant 3 : i32
      %add3A_172 = arith.addi %mul3A_170, %add3A_171 : i32
      %slice3A_173 = vector.extract_strided_slice %get3A_93 {offsets = [3], sizes = [1], strides = [1]} : vector<16xi32> to vector<1xi32>
      %squeeze3A_174 = vector.extract %slice3A_173[0] : i32 from vector<1xi32>
      %dma_start3A_175 = arith.constant 0 : i32
      %dma_start3A_176 = tpu.memref_slice %arg8[%add3A_172, %dma_start3A_175] : memref<128x64xf32, #tpu.memory_space<vmem>> -> memref<1x64xf32, #tpu.memory_space<vmem>>
      %dma_start3A_177 = arith.constant 0 : i32
      %dma_start3A_178 = tpu.memref_slice %arg2[%squeeze3A_174, %dma_start3A_177] : memref<100000x64xf32, #tpu.memory_space<hbm>> -> memref<1x64xf32, #tpu.memory_space<hbm>>
      %dma_start3A_179 = arith.constant 0 : i32
      %dma_start3A_180 = tpu.memref_slice %arg8[%add3A_172, %dma_start3A_179] : memref<128x64xf32, #tpu.memory_space<vmem>> -> memref<1x64xf32, #tpu.memory_space<vmem>>
      %dma_start3A_181 = arith.constant 0 : i32
      %dma_start3A_182 = tpu.memref_slice %arg2[%squeeze3A_174, %dma_start3A_181] : memref<100000x64xf32, #tpu.memory_space<hbm>> -> memref<1x64xf32, #tpu.memory_space<hbm>>
      tpu.enqueue_dma source(%dma_start3A_182 : memref<1x64xf32, #tpu.memory_space<hbm>>) target(%dma_start3A_180 : memref<1x64xf32, #tpu.memory_space<vmem>>) target_semaphore(%arg13 : memref<!tpu.dma_semaphore, #tpu.memory_space<semaphore_mem>>)
      %slice3A_183 = vector.extract_strided_slice %get3A_98 {offsets = [3], sizes = [1], strides = [1]} : vector<16xi32> to vector<1xi32>
      %squeeze3A_184 = vector.extract %slice3A_183[0] : i32 from vector<1xi32>
      %dma_start3A_185 = arith.constant 0 : i32
      %dma_start3A_186 = tpu.memref_slice %arg9[%add3A_172, %dma_start3A_185] : memref<128x64xf32, #tpu.memory_space<vmem>> -> memref<1x64xf32, #tpu.memory_space<vmem>>
      %dma_start3A_187 = arith.constant 0 : i32
      %dma_start3A_188 = tpu.memref_slice %arg2[%squeeze3A_184, %dma_start3A_187] : memref<100000x64xf32, #tpu.memory_space<hbm>> -> memref<1x64xf32, #tpu.memory_space<hbm>>
      %dma_start3A_189 = arith.constant 0 : i32
      %dma_start3A_190 = tpu.memref_slice %arg9[%add3A_172, %dma_start3A_189] : memref<128x64xf32, #tpu.memory_space<vmem>> -> memref<1x64xf32, #tpu.memory_space<vmem>>
      %dma_start3A_191 = arith.constant 0 : i32
      %dma_start3A_192 = tpu.memref_slice %arg2[%squeeze3A_184, %dma_start3A_191] : memref<100000x64xf32, #tpu.memory_space<hbm>> -> memref<1x64xf32, #tpu.memory_space<hbm>>
      tpu.enqueue_dma source(%dma_start3A_192 : memref<1x64xf32, #tpu.memory_space<hbm>>) target(%dma_start3A_190 : memref<1x64xf32, #tpu.memory_space<vmem>>) target_semaphore(%arg14 : memref<!tpu.dma_semaphore, #tpu.memory_space<semaphore_mem>>)
      %mul3A_193 = arith.constant 16 : i32
      %mul3A_194 = arith.muli %scan3A_89, %mul3A_193 : i32
      %add3A_195 = arith.constant 4 : i32
      %add3A_196 = arith.addi %mul3A_194, %add3A_195 : i32
      %slice3A_197 = vector.extract_strided_slice %get3A_93 {offsets = [4], sizes = [1], strides = [1]} : vector<16xi32> to vector<1xi32>
      %squeeze3A_198 = vector.extract %slice3A_197[0] : i32 from vector<1xi32>
      %dma_start3A_199 = arith.constant 0 : i32
      %dma_start3A_200 = tpu.memref_slice %arg8[%add3A_196, %dma_start3A_199] : memref<128x64xf32, #tpu.memory_space<vmem>> -> memref<1x64xf32, #tpu.memory_space<vmem>>
      %dma_start3A_201 = arith.constant 0 : i32
      %dma_start3A_202 = tpu.memref_slice %arg2[%squeeze3A_198, %dma_start3A_201] : memref<100000x64xf32, #tpu.memory_space<hbm>> -> memref<1x64xf32, #tpu.memory_space<hbm>>
      %dma_start3A_203 = arith.constant 0 : i32
      %dma_start3A_204 = tpu.memref_slice %arg8[%add3A_196, %dma_start3A_203] : memref<128x64xf32, #tpu.memory_space<vmem>> -> memref<1x64xf32, #tpu.memory_space<vmem>>
      %dma_start3A_205 = arith.constant 0 : i32
      %dma_start3A_206 = tpu.memref_slice %arg2[%squeeze3A_198, %dma_start3A_205] : memref<100000x64xf32, #tpu.memory_space<hbm>> -> memref<1x64xf32, #tpu.memory_space<hbm>>
      tpu.enqueue_dma source(%dma_start3A_206 : memref<1x64xf32, #tpu.memory_space<hbm>>) target(%dma_start3A_204 : memref<1x64xf32, #tpu.memory_space<vmem>>) target_semaphore(%arg13 : memref<!tpu.dma_semaphore, #tpu.memory_space<semaphore_mem>>)
      %slice3A_207 = vector.extract_strided_slice %get3A_98 {offsets = [4], sizes = [1], strides = [1]} : vector<16xi32> to vector<1xi32>
      %squeeze3A_208 = vector.extract %slice3A_207[0] : i32 from vector<1xi32>
      %dma_start3A_209 = arith.constant 0 : i32
      %dma_start3A_210 = tpu.memref_slice %arg9[%add3A_196, %dma_start3A_209] : memref<128x64xf32, #tpu.memory_space<vmem>> -> memref<1x64xf32, #tpu.memory_space<vmem>>
      %dma_start3A_211 = arith.constant 0 : i32
      %dma_start3A_212 = tpu.memref_slice %arg2[%squeeze3A_208, %dma_start3A_211] : memref<100000x64xf32, #tpu.memory_space<hbm>> -> memref<1x64xf32, #tpu.memory_space<hbm>>
      %dma_start3A_213 = arith.constant 0 : i32
      %dma_start3A_214 = tpu.memref_slice %arg9[%add3A_196, %dma_start3A_213] : memref<128x64xf32, #tpu.memory_space<vmem>> -> memref<1x64xf32, #tpu.memory_space<vmem>>
      %dma_start3A_215 = arith.constant 0 : i32
      %dma_start3A_216 = tpu.memref_slice %arg2[%squeeze3A_208, %dma_start3A_215] : memref<100000x64xf32, #tpu.memory_space<hbm>> -> memref<1x64xf32, #tpu.memory_space<hbm>>
      tpu.enqueue_dma source(%dma_start3A_216 : memref<1x64xf32, #tpu.memory_space<hbm>>) target(%dma_start3A_214 : memref<1x64xf32, #tpu.memory_space<vmem>>) target_semaphore(%arg14 : memref<!tpu.dma_semaphore, #tpu.memory_space<semaphore_mem>>)
      %mul3A_217 = arith.constant 16 : i32
      %mul3A_218 = arith.muli %scan3A_89, %mul3A_217 : i32
      %add3A_219 = arith.constant 5 : i32
      %add3A_220 = arith.addi %mul3A_218, %add3A_219 : i32
      %slice3A_221 = vector.extract_strided_slice %get3A_93 {offsets = [5], sizes = [1], strides = [1]} : vector<16xi32> to vector<1xi32>
      %squeeze3A_222 = vector.extract %slice3A_221[0] : i32 from vector<1xi32>
      %dma_start3A_223 = arith.constant 0 : i32
      %dma_start3A_224 = tpu.memref_slice %arg8[%add3A_220, %dma_start3A_223] : memref<128x64xf32, #tpu.memory_space<vmem>> -> memref<1x64xf32, #tpu.memory_space<vmem>>
      %dma_start3A_225 = arith.constant 0 : i32
      %dma_start3A_226 = tpu.memref_slice %arg2[%squeeze3A_222, %dma_start3A_225] : memref<100000x64xf32, #tpu.memory_space<hbm>> -> memref<1x64xf32, #tpu.memory_space<hbm>>
      %dma_start3A_227 = arith.constant 0 : i32
      %dma_start3A_228 = tpu.memref_slice %arg8[%add3A_220, %dma_start3A_227] : memref<128x64xf32, #tpu.memory_space<vmem>> -> memref<1x64xf32, #tpu.memory_space<vmem>>
      %dma_start3A_229 = arith.constant 0 : i32
      %dma_start3A_230 = tpu.memref_slice %arg2[%squeeze3A_222, %dma_start3A_229] : memref<100000x64xf32, #tpu.memory_space<hbm>> -> memref<1x64xf32, #tpu.memory_space<hbm>>
      tpu.enqueue_dma source(%dma_start3A_230 : memref<1x64xf32, #tpu.memory_space<hbm>>) target(%dma_start3A_228 : memref<1x64xf32, #tpu.memory_space<vmem>>) target_semaphore(%arg13 : memref<!tpu.dma_semaphore, #tpu.memory_space<semaphore_mem>>)
      %slice3A_231 = vector.extract_strided_slice %get3A_98 {offsets = [5], sizes = [1], strides = [1]} : vector<16xi32> to vector<1xi32>
      %squeeze3A_232 = vector.extract %slice3A_231[0] : i32 from vector<1xi32>
      %dma_start3A_233 = arith.constant 0 : i32
      %dma_start3A_234 = tpu.memref_slice %arg9[%add3A_220, %dma_start3A_233] : memref<128x64xf32, #tpu.memory_space<vmem>> -> memref<1x64xf32, #tpu.memory_space<vmem>>
      %dma_start3A_235 = arith.constant 0 : i32
      %dma_start3A_236 = tpu.memref_slice %arg2[%squeeze3A_232, %dma_start3A_235] : memref<100000x64xf32, #tpu.memory_space<hbm>> -> memref<1x64xf32, #tpu.memory_space<hbm>>
      %dma_start3A_237 = arith.constant 0 : i32
      %dma_start3A_238 = tpu.memref_slice %arg9[%add3A_220, %dma_start3A_237] : memref<128x64xf32, #tpu.memory_space<vmem>> -> memref<1x64xf32, #tpu.memory_space<vmem>>
      %dma_start3A_239 = arith.constant 0 : i32
      %dma_start3A_240 = tpu.memref_slice %arg2[%squeeze3A_232, %dma_start3A_239] : memref<100000x64xf32, #tpu.memory_space<hbm>> -> memref<1x64xf32, #tpu.memory_space<hbm>>
      tpu.enqueue_dma source(%dma_start3A_240 : memref<1x64xf32, #tpu.memory_space<hbm>>) target(%dma_start3A_238 : memref<1x64xf32, #tpu.memory_space<vmem>>) target_semaphore(%arg14 : memref<!tpu.dma_semaphore, #tpu.memory_space<semaphore_mem>>)
      %mul3A_241 = arith.constant 16 : i32
      %mul3A_242 = arith.muli %scan3A_89, %mul3A_241 : i32
      %add3A_243 = arith.constant 6 : i32
      %add3A_244 = arith.addi %mul3A_242, %add3A_243 : i32
      %slice3A_245 = vector.extract_strided_slice %get3A_93 {offsets = [6], sizes = [1], strides = [1]} : vector<16xi32> to vector<1xi32>
      %squeeze3A_246 = vector.extract %slice3A_245[0] : i32 from vector<1xi32>
      %dma_start3A_247 = arith.constant 0 : i32
      %dma_start3A_248 = tpu.memref_slice %arg8[%add3A_244, %dma_start3A_247] : memref<128x64xf32, #tpu.memory_space<vmem>> -> memref<1x64xf32, #tpu.memory_space<vmem>>
      %dma_start3A_249 = arith.constant 0 : i32
      %dma_start3A_250 = tpu.memref_slice %arg2[%squeeze3A_246, %dma_start3A_249] : memref<100000x64xf32, #tpu.memory_space<hbm>> -> memref<1x64xf32, #tpu.memory_space<hbm>>
      %dma_start3A_251 = arith.constant 0 : i32
      %dma_start3A_252 = tpu.memref_slice %arg8[%add3A_244, %dma_start3A_251] : memref<128x64xf32, #tpu.memory_space<vmem>> -> memref<1x64xf32, #tpu.memory_space<vmem>>
      %dma_start3A_253 = arith.constant 0 : i32
      %dma_start3A_254 = tpu.memref_slice %arg2[%squeeze3A_246, %dma_start3A_253] : memref<100000x64xf32, #tpu.memory_space<hbm>> -> memref<1x64xf32, #tpu.memory_space<hbm>>
      tpu.enqueue_dma source(%dma_start3A_254 : memref<1x64xf32, #tpu.memory_space<hbm>>) target(%dma_start3A_252 : memref<1x64xf32, #tpu.memory_space<vmem>>) target_semaphore(%arg13 : memref<!tpu.dma_semaphore, #tpu.memory_space<semaphore_mem>>)
      %slice3A_255 = vector.extract_strided_slice %get3A_98 {offsets = [6], sizes = [1], strides = [1]} : vector<16xi32> to vector<1xi32>
      %squeeze3A_256 = vector.extract %slice3A_255[0] : i32 from vector<1xi32>
      %dma_start3A_257 = arith.constant 0 : i32
      %dma_start3A_258 = tpu.memref_slice %arg9[%add3A_244, %dma_start3A_257] : memref<128x64xf32, #tpu.memory_space<vmem>> -> memref<1x64xf32, #tpu.memory_space<vmem>>
      %dma_start3A_259 = arith.constant 0 : i32
      %dma_start3A_260 = tpu.memref_slice %arg2[%squeeze3A_256, %dma_start3A_259] : memref<100000x64xf32, #tpu.memory_space<hbm>> -> memref<1x64xf32, #tpu.memory_space<hbm>>
      %dma_start3A_261 = arith.constant 0 : i32
      %dma_start3A_262 = tpu.memref_slice %arg9[%add3A_244, %dma_start3A_261] : memref<128x64xf32, #tpu.memory_space<vmem>> -> memref<1x64xf32, #tpu.memory_space<vmem>>
      %dma_start3A_263 = arith.constant 0 : i32
      %dma_start3A_264 = tpu.memref_slice %arg2[%squeeze3A_256, %dma_start3A_263] : memref<100000x64xf32, #tpu.memory_space<hbm>> -> memref<1x64xf32, #tpu.memory_space<hbm>>
      tpu.enqueue_dma source(%dma_start3A_264 : memref<1x64xf32, #tpu.memory_space<hbm>>) target(%dma_start3A_262 : memref<1x64xf32, #tpu.memory_space<vmem>>) target_semaphore(%arg14 : memref<!tpu.dma_semaphore, #tpu.memory_space<semaphore_mem>>)
      %mul3A_265 = arith.constant 16 : i32
      %mul3A_266 = arith.muli %scan3A_89, %mul3A_265 : i32
      %add3A_267 = arith.constant 7 : i32
      %add3A_268 = arith.addi %mul3A_266, %add3A_267 : i32
      %slice3A_269 = vector.extract_strided_slice %get3A_93 {offsets = [7], sizes = [1], strides = [1]} : vector<16xi32> to vector<1xi32>
      %squeeze3A_270 = vector.extract %slice3A_269[0] : i32 from vector<1xi32>
      %dma_start3A_271 = arith.constant 0 : i32
      %dma_start3A_272 = tpu.memref_slice %arg8[%add3A_268, %dma_start3A_271] : memref<128x64xf32, #tpu.memory_space<vmem>> -> memref<1x64xf32, #tpu.memory_space<vmem>>
      %dma_start3A_273 = arith.constant 0 : i32
      %dma_start3A_274 = tpu.memref_slice %arg2[%squeeze3A_270, %dma_start3A_273] : memref<100000x64xf32, #tpu.memory_space<hbm>> -> memref<1x64xf32, #tpu.memory_space<hbm>>
      %dma_start3A_275 = arith.constant 0 : i32
      %dma_start3A_276 = tpu.memref_slice %arg8[%add3A_268, %dma_start3A_275] : memref<128x64xf32, #tpu.memory_space<vmem>> -> memref<1x64xf32, #tpu.memory_space<vmem>>
      %dma_start3A_277 = arith.constant 0 : i32
      %dma_start3A_278 = tpu.memref_slice %arg2[%squeeze3A_270, %dma_start3A_277] : memref<100000x64xf32, #tpu.memory_space<hbm>> -> memref<1x64xf32, #tpu.memory_space<hbm>>
      tpu.enqueue_dma source(%dma_start3A_278 : memref<1x64xf32, #tpu.memory_space<hbm>>) target(%dma_start3A_276 : memref<1x64xf32, #tpu.memory_space<vmem>>) target_semaphore(%arg13 : memref<!tpu.dma_semaphore, #tpu.memory_space<semaphore_mem>>)
      %slice3A_279 = vector.extract_strided_slice %get3A_98 {offsets = [7], sizes = [1], strides = [1]} : vector<16xi32> to vector<1xi32>
      %squeeze3A_280 = vector.extract %slice3A_279[0] : i32 from vector<1xi32>
      %dma_start3A_281 = arith.constant 0 : i32
      %dma_start3A_282 = tpu.memref_slice %arg9[%add3A_268, %dma_start3A_281] : memref<128x64xf32, #tpu.memory_space<vmem>> -> memref<1x64xf32, #tpu.memory_space<vmem>>
      %dma_start3A_283 = arith.constant 0 : i32
      %dma_start3A_284 = tpu.memref_slice %arg2[%squeeze3A_280, %dma_start3A_283] : memref<100000x64xf32, #tpu.memory_space<hbm>> -> memref<1x64xf32, #tpu.memory_space<hbm>>
      %dma_start3A_285 = arith.constant 0 : i32
      %dma_start3A_286 = tpu.memref_slice %arg9[%add3A_268, %dma_start3A_285] : memref<128x64xf32, #tpu.memory_space<vmem>> -> memref<1x64xf32, #tpu.memory_space<vmem>>
      %dma_start3A_287 = arith.constant 0 : i32
      %dma_start3A_288 = tpu.memref_slice %arg2[%squeeze3A_280, %dma_start3A_287] : memref<100000x64xf32, #tpu.memory_space<hbm>> -> memref<1x64xf32, #tpu.memory_space<hbm>>
      tpu.enqueue_dma source(%dma_start3A_288 : memref<1x64xf32, #tpu.memory_space<hbm>>) target(%dma_start3A_286 : memref<1x64xf32, #tpu.memory_space<vmem>>) target_semaphore(%arg14 : memref<!tpu.dma_semaphore, #tpu.memory_space<semaphore_mem>>)
      %mul3A_289 = arith.constant 16 : i32
      %mul3A_290 = arith.muli %scan3A_89, %mul3A_289 : i32
      %add3A_291 = arith.constant 8 : i32
      %add3A_292 = arith.addi %mul3A_290, %add3A_291 : i32
      %slice3A_293 = vector.extract_strided_slice %get3A_93 {offsets = [8], sizes = [1], strides = [1]} : vector<16xi32> to vector<1xi32>
      %squeeze3A_294 = vector.extract %slice3A_293[0] : i32 from vector<1xi32>
      %dma_start3A_295 = arith.constant 0 : i32
      %dma_start3A_296 = tpu.memref_slice %arg8[%add3A_292, %dma_start3A_295] : memref<128x64xf32, #tpu.memory_space<vmem>> -> memref<1x64xf32, #tpu.memory_space<vmem>>
      %dma_start3A_297 = arith.constant 0 : i32
      %dma_start3A_298 = tpu.memref_slice %arg2[%squeeze3A_294, %dma_start3A_297] : memref<100000x64xf32, #tpu.memory_space<hbm>> -> memref<1x64xf32, #tpu.memory_space<hbm>>
      %dma_start3A_299 = arith.constant 0 : i32
      %dma_start3A_300 = tpu.memref_slice %arg8[%add3A_292, %dma_start3A_299] : memref<128x64xf32, #tpu.memory_space<vmem>> -> memref<1x64xf32, #tpu.memory_space<vmem>>
      %dma_start3A_301 = arith.constant 0 : i32
      %dma_start3A_302 = tpu.memref_slice %arg2[%squeeze3A_294, %dma_start3A_301] : memref<100000x64xf32, #tpu.memory_space<hbm>> -> memref<1x64xf32, #tpu.memory_space<hbm>>
      tpu.enqueue_dma source(%dma_start3A_302 : memref<1x64xf32, #tpu.memory_space<hbm>>) target(%dma_start3A_300 : memref<1x64xf32, #tpu.memory_space<vmem>>) target_semaphore(%arg13 : memref<!tpu.dma_semaphore, #tpu.memory_space<semaphore_mem>>)
      %slice3A_303 = vector.extract_strided_slice %get3A_98 {offsets = [8], sizes = [1], strides = [1]} : vector<16xi32> to vector<1xi32>
      %squeeze3A_304 = vector.extract %slice3A_303[0] : i32 from vector<1xi32>
      %dma_start3A_305 = arith.constant 0 : i32
      %dma_start3A_306 = tpu.memref_slice %arg9[%add3A_292, %dma_start3A_305] : memref<128x64xf32, #tpu.memory_space<vmem>> -> memref<1x64xf32, #tpu.memory_space<vmem>>
      %dma_start3A_307 = arith.constant 0 : i32
      %dma_start3A_308 = tpu.memref_slice %arg2[%squeeze3A_304, %dma_start3A_307] : memref<100000x64xf32, #tpu.memory_space<hbm>> -> memref<1x64xf32, #tpu.memory_space<hbm>>
      %dma_start3A_309 = arith.constant 0 : i32
      %dma_start3A_310 = tpu.memref_slice %arg9[%add3A_292, %dma_start3A_309] : memref<128x64xf32, #tpu.memory_space<vmem>> -> memref<1x64xf32, #tpu.memory_space<vmem>>
      %dma_start3A_311 = arith.constant 0 : i32
      %dma_start3A_312 = tpu.memref_slice %arg2[%squeeze3A_304, %dma_start3A_311] : memref<100000x64xf32, #tpu.memory_space<hbm>> -> memref<1x64xf32, #tpu.memory_space<hbm>>
      tpu.enqueue_dma source(%dma_start3A_312 : memref<1x64xf32, #tpu.memory_space<hbm>>) target(%dma_start3A_310 : memref<1x64xf32, #tpu.memory_space<vmem>>) target_semaphore(%arg14 : memref<!tpu.dma_semaphore, #tpu.memory_space<semaphore_mem>>)
      %mul3A_313 = arith.constant 16 : i32
      %mul3A_314 = arith.muli %scan3A_89, %mul3A_313 : i32
      %add3A_315 = arith.constant 9 : i32
      %add3A_316 = arith.addi %mul3A_314, %add3A_315 : i32
      %slice3A_317 = vector.extract_strided_slice %get3A_93 {offsets = [9], sizes = [1], strides = [1]} : vector<16xi32> to vector<1xi32>
      %squeeze3A_318 = vector.extract %slice3A_317[0] : i32 from vector<1xi32>
      %dma_start3A_319 = arith.constant 0 : i32
      %dma_start3A_320 = tpu.memref_slice %arg8[%add3A_316, %dma_start3A_319] : memref<128x64xf32, #tpu.memory_space<vmem>> -> memref<1x64xf32, #tpu.memory_space<vmem>>
      %dma_start3A_321 = arith.constant 0 : i32
      %dma_start3A_322 = tpu.memref_slice %arg2[%squeeze3A_318, %dma_start3A_321] : memref<100000x64xf32, #tpu.memory_space<hbm>> -> memref<1x64xf32, #tpu.memory_space<hbm>>
      %dma_start3A_323 = arith.constant 0 : i32
      %dma_start3A_324 = tpu.memref_slice %arg8[%add3A_316, %dma_start3A_323] : memref<128x64xf32, #tpu.memory_space<vmem>> -> memref<1x64xf32, #tpu.memory_space<vmem>>
      %dma_start3A_325 = arith.constant 0 : i32
      %dma_start3A_326 = tpu.memref_slice %arg2[%squeeze3A_318, %dma_start3A_325] : memref<100000x64xf32, #tpu.memory_space<hbm>> -> memref<1x64xf32, #tpu.memory_space<hbm>>
      tpu.enqueue_dma source(%dma_start3A_326 : memref<1x64xf32, #tpu.memory_space<hbm>>) target(%dma_start3A_324 : memref<1x64xf32, #tpu.memory_space<vmem>>) target_semaphore(%arg13 : memref<!tpu.dma_semaphore, #tpu.memory_space<semaphore_mem>>)
      %slice3A_327 = vector.extract_strided_slice %get3A_98 {offsets = [9], sizes = [1], strides = [1]} : vector<16xi32> to vector<1xi32>
      %squeeze3A_328 = vector.extract %slice3A_327[0] : i32 from vector<1xi32>
      %dma_start3A_329 = arith.constant 0 : i32
      %dma_start3A_330 = tpu.memref_slice %arg9[%add3A_316, %dma_start3A_329] : memref<128x64xf32, #tpu.memory_space<vmem>> -> memref<1x64xf32, #tpu.memory_space<vmem>>
      %dma_start3A_331 = arith.constant 0 : i32
      %dma_start3A_332 = tpu.memref_slice %arg2[%squeeze3A_328, %dma_start3A_331] : memref<100000x64xf32, #tpu.memory_space<hbm>> -> memref<1x64xf32, #tpu.memory_space<hbm>>
      %dma_start3A_333 = arith.constant 0 : i32
      %dma_start3A_334 = tpu.memref_slice %arg9[%add3A_316, %dma_start3A_333] : memref<128x64xf32, #tpu.memory_space<vmem>> -> memref<1x64xf32, #tpu.memory_space<vmem>>
      %dma_start3A_335 = arith.constant 0 : i32
      %dma_start3A_336 = tpu.memref_slice %arg2[%squeeze3A_328, %dma_start3A_335] : memref<100000x64xf32, #tpu.memory_space<hbm>> -> memref<1x64xf32, #tpu.memory_space<hbm>>
      tpu.enqueue_dma source(%dma_start3A_336 : memref<1x64xf32, #tpu.memory_space<hbm>>) target(%dma_start3A_334 : memref<1x64xf32, #tpu.memory_space<vmem>>) target_semaphore(%arg14 : memref<!tpu.dma_semaphore, #tpu.memory_space<semaphore_mem>>)
      %mul3A_337 = arith.constant 16 : i32
      %mul3A_338 = arith.muli %scan3A_89, %mul3A_337 : i32
      %add3A_339 = arith.constant 10 : i32
      %add3A_340 = arith.addi %mul3A_338, %add3A_339 : i32
      %slice3A_341 = vector.extract_strided_slice %get3A_93 {offsets = [10], sizes = [1], strides = [1]} : vector<16xi32> to vector<1xi32>
      %squeeze3A_342 = vector.extract %slice3A_341[0] : i32 from vector<1xi32>
      %dma_start3A_343 = arith.constant 0 : i32
      %dma_start3A_344 = tpu.memref_slice %arg8[%add3A_340, %dma_start3A_343] : memref<128x64xf32, #tpu.memory_space<vmem>> -> memref<1x64xf32, #tpu.memory_space<vmem>>
      %dma_start3A_345 = arith.constant 0 : i32
      %dma_start3A_346 = tpu.memref_slice %arg2[%squeeze3A_342, %dma_start3A_345] : memref<100000x64xf32, #tpu.memory_space<hbm>> -> memref<1x64xf32, #tpu.memory_space<hbm>>
      %dma_start3A_347 = arith.constant 0 : i32
      %dma_start3A_348 = tpu.memref_slice %arg8[%add3A_340, %dma_start3A_347] : memref<128x64xf32, #tpu.memory_space<vmem>> -> memref<1x64xf32, #tpu.memory_space<vmem>>
      %dma_start3A_349 = arith.constant 0 : i32
      %dma_start3A_350 = tpu.memref_slice %arg2[%squeeze3A_342, %dma_start3A_349] : memref<100000x64xf32, #tpu.memory_space<hbm>> -> memref<1x64xf32, #tpu.memory_space<hbm>>
      tpu.enqueue_dma source(%dma_start3A_350 : memref<1x64xf32, #tpu.memory_space<hbm>>) target(%dma_start3A_348 : memref<1x64xf32, #tpu.memory_space<vmem>>) target_semaphore(%arg13 : memref<!tpu.dma_semaphore, #tpu.memory_space<semaphore_mem>>)
      %slice3A_351 = vector.extract_strided_slice %get3A_98 {offsets = [10], sizes = [1], strides = [1]} : vector<16xi32> to vector<1xi32>
      %squeeze3A_352 = vector.extract %slice3A_351[0] : i32 from vector<1xi32>
      %dma_start3A_353 = arith.constant 0 : i32
      %dma_start3A_354 = tpu.memref_slice %arg9[%add3A_340, %dma_start3A_353] : memref<128x64xf32, #tpu.memory_space<vmem>> -> memref<1x64xf32, #tpu.memory_space<vmem>>
      %dma_start3A_355 = arith.constant 0 : i32
      %dma_start3A_356 = tpu.memref_slice %arg2[%squeeze3A_352, %dma_start3A_355] : memref<100000x64xf32, #tpu.memory_space<hbm>> -> memref<1x64xf32, #tpu.memory_space<hbm>>
      %dma_start3A_357 = arith.constant 0 : i32
      %dma_start3A_358 = tpu.memref_slice %arg9[%add3A_340, %dma_start3A_357] : memref<128x64xf32, #tpu.memory_space<vmem>> -> memref<1x64xf32, #tpu.memory_space<vmem>>
      %dma_start3A_359 = arith.constant 0 : i32
      %dma_start3A_360 = tpu.memref_slice %arg2[%squeeze3A_352, %dma_start3A_359] : memref<100000x64xf32, #tpu.memory_space<hbm>> -> memref<1x64xf32, #tpu.memory_space<hbm>>
      tpu.enqueue_dma source(%dma_start3A_360 : memref<1x64xf32, #tpu.memory_space<hbm>>) target(%dma_start3A_358 : memref<1x64xf32, #tpu.memory_space<vmem>>) target_semaphore(%arg14 : memref<!tpu.dma_semaphore, #tpu.memory_space<semaphore_mem>>)
      %mul3A_361 = arith.constant 16 : i32
      %mul3A_362 = arith.muli %scan3A_89, %mul3A_361 : i32
      %add3A_363 = arith.constant 11 : i32
      %add3A_364 = arith.addi %mul3A_362, %add3A_363 : i32
      %slice3A_365 = vector.extract_strided_slice %get3A_93 {offsets = [11], sizes = [1], strides = [1]} : vector<16xi32> to vector<1xi32>
      %squeeze3A_366 = vector.extract %slice3A_365[0] : i32 from vector<1xi32>
      %dma_start3A_367 = arith.constant 0 : i32
      %dma_start3A_368 = tpu.memref_slice %arg8[%add3A_364, %dma_start3A_367] : memref<128x64xf32, #tpu.memory_space<vmem>> -> memref<1x64xf32, #tpu.memory_space<vmem>>
      %dma_start3A_369 = arith.constant 0 : i32
      %dma_start3A_370 = tpu.memref_slice %arg2[%squeeze3A_366, %dma_start3A_369] : memref<100000x64xf32, #tpu.memory_space<hbm>> -> memref<1x64xf32, #tpu.memory_space<hbm>>
      %dma_start3A_371 = arith.constant 0 : i32
      %dma_start3A_372 = tpu.memref_slice %arg8[%add3A_364, %dma_start3A_371] : memref<128x64xf32, #tpu.memory_space<vmem>> -> memref<1x64xf32, #tpu.memory_space<vmem>>
      %dma_start3A_373 = arith.constant 0 : i32
      %dma_start3A_374 = tpu.memref_slice %arg2[%squeeze3A_366, %dma_start3A_373] : memref<100000x64xf32, #tpu.memory_space<hbm>> -> memref<1x64xf32, #tpu.memory_space<hbm>>
      tpu.enqueue_dma source(%dma_start3A_374 : memref<1x64xf32, #tpu.memory_space<hbm>>) target(%dma_start3A_372 : memref<1x64xf32, #tpu.memory_space<vmem>>) target_semaphore(%arg13 : memref<!tpu.dma_semaphore, #tpu.memory_space<semaphore_mem>>)
      %slice3A_375 = vector.extract_strided_slice %get3A_98 {offsets = [11], sizes = [1], strides = [1]} : vector<16xi32> to vector<1xi32>
      %squeeze3A_376 = vector.extract %slice3A_375[0] : i32 from vector<1xi32>
      %dma_start3A_377 = arith.constant 0 : i32
      %dma_start3A_378 = tpu.memref_slice %arg9[%add3A_364, %dma_start3A_377] : memref<128x64xf32, #tpu.memory_space<vmem>> -> memref<1x64xf32, #tpu.memory_space<vmem>>
      %dma_start3A_379 = arith.constant 0 : i32
      %dma_start3A_380 = tpu.memref_slice %arg2[%squeeze3A_376, %dma_start3A_379] : memref<100000x64xf32, #tpu.memory_space<hbm>> -> memref<1x64xf32, #tpu.memory_space<hbm>>
      %dma_start3A_381 = arith.constant 0 : i32
      %dma_start3A_382 = tpu.memref_slice %arg9[%add3A_364, %dma_start3A_381] : memref<128x64xf32, #tpu.memory_space<vmem>> -> memref<1x64xf32, #tpu.memory_space<vmem>>
      %dma_start3A_383 = arith.constant 0 : i32
      %dma_start3A_384 = tpu.memref_slice %arg2[%squeeze3A_376, %dma_start3A_383] : memref<100000x64xf32, #tpu.memory_space<hbm>> -> memref<1x64xf32, #tpu.memory_space<hbm>>
      tpu.enqueue_dma source(%dma_start3A_384 : memref<1x64xf32, #tpu.memory_space<hbm>>) target(%dma_start3A_382 : memref<1x64xf32, #tpu.memory_space<vmem>>) target_semaphore(%arg14 : memref<!tpu.dma_semaphore, #tpu.memory_space<semaphore_mem>>)
      %mul3A_385 = arith.constant 16 : i32
      %mul3A_386 = arith.muli %scan3A_89, %mul3A_385 : i32
      %add3A_387 = arith.constant 12 : i32
      %add3A_388 = arith.addi %mul3A_386, %add3A_387 : i32
      %slice3A_389 = vector.extract_strided_slice %get3A_93 {offsets = [12], sizes = [1], strides = [1]} : vector<16xi32> to vector<1xi32>
      %squeeze3A_390 = vector.extract %slice3A_389[0] : i32 from vector<1xi32>
      %dma_start3A_391 = arith.constant 0 : i32
      %dma_start3A_392 = tpu.memref_slice %arg8[%add3A_388, %dma_start3A_391] : memref<128x64xf32, #tpu.memory_space<vmem>> -> memref<1x64xf32, #tpu.memory_space<vmem>>
      %dma_start3A_393 = arith.constant 0 : i32
      %dma_start3A_394 = tpu.memref_slice %arg2[%squeeze3A_390, %dma_start3A_393] : memref<100000x64xf32, #tpu.memory_space<hbm>> -> memref<1x64xf32, #tpu.memory_space<hbm>>
      %dma_start3A_395 = arith.constant 0 : i32
      %dma_start3A_396 = tpu.memref_slice %arg8[%add3A_388, %dma_start3A_395] : memref<128x64xf32, #tpu.memory_space<vmem>> -> memref<1x64xf32, #tpu.memory_space<vmem>>
      %dma_start3A_397 = arith.constant 0 : i32
      %dma_start3A_398 = tpu.memref_slice %arg2[%squeeze3A_390, %dma_start3A_397] : memref<100000x64xf32, #tpu.memory_space<hbm>> -> memref<1x64xf32, #tpu.memory_space<hbm>>
      tpu.enqueue_dma source(%dma_start3A_398 : memref<1x64xf32, #tpu.memory_space<hbm>>) target(%dma_start3A_396 : memref<1x64xf32, #tpu.memory_space<vmem>>) target_semaphore(%arg13 : memref<!tpu.dma_semaphore, #tpu.memory_space<semaphore_mem>>)
      %slice3A_399 = vector.extract_strided_slice %get3A_98 {offsets = [12], sizes = [1], strides = [1]} : vector<16xi32> to vector<1xi32>
      %squeeze3A_400 = vector.extract %slice3A_399[0] : i32 from vector<1xi32>
      %dma_start3A_401 = arith.constant 0 : i32
      %dma_start3A_402 = tpu.memref_slice %arg9[%add3A_388, %dma_start3A_401] : memref<128x64xf32, #tpu.memory_space<vmem>> -> memref<1x64xf32, #tpu.memory_space<vmem>>
      %dma_start3A_403 = arith.constant 0 : i32
      %dma_start3A_404 = tpu.memref_slice %arg2[%squeeze3A_400, %dma_start3A_403] : memref<100000x64xf32, #tpu.memory_space<hbm>> -> memref<1x64xf32, #tpu.memory_space<hbm>>
      %dma_start3A_405 = arith.constant 0 : i32
      %dma_start3A_406 = tpu.memref_slice %arg9[%add3A_388, %dma_start3A_405] : memref<128x64xf32, #tpu.memory_space<vmem>> -> memref<1x64xf32, #tpu.memory_space<vmem>>
      %dma_start3A_407 = arith.constant 0 : i32
      %dma_start3A_408 = tpu.memref_slice %arg2[%squeeze3A_400, %dma_start3A_407] : memref<100000x64xf32, #tpu.memory_space<hbm>> -> memref<1x64xf32, #tpu.memory_space<hbm>>
      tpu.enqueue_dma source(%dma_start3A_408 : memref<1x64xf32, #tpu.memory_space<hbm>>) target(%dma_start3A_406 : memref<1x64xf32, #tpu.memory_space<vmem>>) target_semaphore(%arg14 : memref<!tpu.dma_semaphore, #tpu.memory_space<semaphore_mem>>)
      %mul3A_409 = arith.constant 16 : i32
      %mul3A_410 = arith.muli %scan3A_89, %mul3A_409 : i32
      %add3A_411 = arith.constant 13 : i32
      %add3A_412 = arith.addi %mul3A_410, %add3A_411 : i32
      %slice3A_413 = vector.extract_strided_slice %get3A_93 {offsets = [13], sizes = [1], strides = [1]} : vector<16xi32> to vector<1xi32>
      %squeeze3A_414 = vector.extract %slice3A_413[0] : i32 from vector<1xi32>
      %dma_start3A_415 = arith.constant 0 : i32
      %dma_start3A_416 = tpu.memref_slice %arg8[%add3A_412, %dma_start3A_415] : memref<128x64xf32, #tpu.memory_space<vmem>> -> memref<1x64xf32, #tpu.memory_space<vmem>>
      %dma_start3A_417 = arith.constant 0 : i32
      %dma_start3A_418 = tpu.memref_slice %arg2[%squeeze3A_414, %dma_start3A_417] : memref<100000x64xf32, #tpu.memory_space<hbm>> -> memref<1x64xf32, #tpu.memory_space<hbm>>
      %dma_start3A_419 = arith.constant 0 : i32
      %dma_start3A_420 = tpu.memref_slice %arg8[%add3A_412, %dma_start3A_419] : memref<128x64xf32, #tpu.memory_space<vmem>> -> memref<1x64xf32, #tpu.memory_space<vmem>>
      %dma_start3A_421 = arith.constant 0 : i32
      %dma_start3A_422 = tpu.memref_slice %arg2[%squeeze3A_414, %dma_start3A_421] : memref<100000x64xf32, #tpu.memory_space<hbm>> -> memref<1x64xf32, #tpu.memory_space<hbm>>
      tpu.enqueue_dma source(%dma_start3A_422 : memref<1x64xf32, #tpu.memory_space<hbm>>) target(%dma_start3A_420 : memref<1x64xf32, #tpu.memory_space<vmem>>) target_semaphore(%arg13 : memref<!tpu.dma_semaphore, #tpu.memory_space<semaphore_mem>>)
      %slice3A_423 = vector.extract_strided_slice %get3A_98 {offsets = [13], sizes = [1], strides = [1]} : vector<16xi32> to vector<1xi32>
      %squeeze3A_424 = vector.extract %slice3A_423[0] : i32 from vector<1xi32>
      %dma_start3A_425 = arith.constant 0 : i32
      %dma_start3A_426 = tpu.memref_slice %arg9[%add3A_412, %dma_start3A_425] : memref<128x64xf32, #tpu.memory_space<vmem>> -> memref<1x64xf32, #tpu.memory_space<vmem>>
      %dma_start3A_427 = arith.constant 0 : i32
      %dma_start3A_428 = tpu.memref_slice %arg2[%squeeze3A_424, %dma_start3A_427] : memref<100000x64xf32, #tpu.memory_space<hbm>> -> memref<1x64xf32, #tpu.memory_space<hbm>>
      %dma_start3A_429 = arith.constant 0 : i32
      %dma_start3A_430 = tpu.memref_slice %arg9[%add3A_412, %dma_start3A_429] : memref<128x64xf32, #tpu.memory_space<vmem>> -> memref<1x64xf32, #tpu.memory_space<vmem>>
      %dma_start3A_431 = arith.constant 0 : i32
      %dma_start3A_432 = tpu.memref_slice %arg2[%squeeze3A_424, %dma_start3A_431] : memref<100000x64xf32, #tpu.memory_space<hbm>> -> memref<1x64xf32, #tpu.memory_space<hbm>>
      tpu.enqueue_dma source(%dma_start3A_432 : memref<1x64xf32, #tpu.memory_space<hbm>>) target(%dma_start3A_430 : memref<1x64xf32, #tpu.memory_space<vmem>>) target_semaphore(%arg14 : memref<!tpu.dma_semaphore, #tpu.memory_space<semaphore_mem>>)
      %mul3A_433 = arith.constant 16 : i32
      %mul3A_434 = arith.muli %scan3A_89, %mul3A_433 : i32
      %add3A_435 = arith.constant 14 : i32
      %add3A_436 = arith.addi %mul3A_434, %add3A_435 : i32
      %slice3A_437 = vector.extract_strided_slice %get3A_93 {offsets = [14], sizes = [1], strides = [1]} : vector<16xi32> to vector<1xi32>
      %squeeze3A_438 = vector.extract %slice3A_437[0] : i32 from vector<1xi32>
      %dma_start3A_439 = arith.constant 0 : i32
      %dma_start3A_440 = tpu.memref_slice %arg8[%add3A_436, %dma_start3A_439] : memref<128x64xf32, #tpu.memory_space<vmem>> -> memref<1x64xf32, #tpu.memory_space<vmem>>
      %dma_start3A_441 = arith.constant 0 : i32
      %dma_start3A_442 = tpu.memref_slice %arg2[%squeeze3A_438, %dma_start3A_441] : memref<100000x64xf32, #tpu.memory_space<hbm>> -> memref<1x64xf32, #tpu.memory_space<hbm>>
      %dma_start3A_443 = arith.constant 0 : i32
      %dma_start3A_444 = tpu.memref_slice %arg8[%add3A_436, %dma_start3A_443] : memref<128x64xf32, #tpu.memory_space<vmem>> -> memref<1x64xf32, #tpu.memory_space<vmem>>
      %dma_start3A_445 = arith.constant 0 : i32
      %dma_start3A_446 = tpu.memref_slice %arg2[%squeeze3A_438, %dma_start3A_445] : memref<100000x64xf32, #tpu.memory_space<hbm>> -> memref<1x64xf32, #tpu.memory_space<hbm>>
      tpu.enqueue_dma source(%dma_start3A_446 : memref<1x64xf32, #tpu.memory_space<hbm>>) target(%dma_start3A_444 : memref<1x64xf32, #tpu.memory_space<vmem>>) target_semaphore(%arg13 : memref<!tpu.dma_semaphore, #tpu.memory_space<semaphore_mem>>)
      %slice3A_447 = vector.extract_strided_slice %get3A_98 {offsets = [14], sizes = [1], strides = [1]} : vector<16xi32> to vector<1xi32>
      %squeeze3A_448 = vector.extract %slice3A_447[0] : i32 from vector<1xi32>
      %dma_start3A_449 = arith.constant 0 : i32
      %dma_start3A_450 = tpu.memref_slice %arg9[%add3A_436, %dma_start3A_449] : memref<128x64xf32, #tpu.memory_space<vmem>> -> memref<1x64xf32, #tpu.memory_space<vmem>>
      %dma_start3A_451 = arith.constant 0 : i32
      %dma_start3A_452 = tpu.memref_slice %arg2[%squeeze3A_448, %dma_start3A_451] : memref<100000x64xf32, #tpu.memory_space<hbm>> -> memref<1x64xf32, #tpu.memory_space<hbm>>
      %dma_start3A_453 = arith.constant 0 : i32
      %dma_start3A_454 = tpu.memref_slice %arg9[%add3A_436, %dma_start3A_453] : memref<128x64xf32, #tpu.memory_space<vmem>> -> memref<1x64xf32, #tpu.memory_space<vmem>>
      %dma_start3A_455 = arith.constant 0 : i32
      %dma_start3A_456 = tpu.memref_slice %arg2[%squeeze3A_448, %dma_start3A_455] : memref<100000x64xf32, #tpu.memory_space<hbm>> -> memref<1x64xf32, #tpu.memory_space<hbm>>
      tpu.enqueue_dma source(%dma_start3A_456 : memref<1x64xf32, #tpu.memory_space<hbm>>) target(%dma_start3A_454 : memref<1x64xf32, #tpu.memory_space<vmem>>) target_semaphore(%arg14 : memref<!tpu.dma_semaphore, #tpu.memory_space<semaphore_mem>>)
      %mul3A_457 = arith.constant 16 : i32
      %mul3A_458 = arith.muli %scan3A_89, %mul3A_457 : i32
      %add3A_459 = arith.constant 15 : i32
      %add3A_460 = arith.addi %mul3A_458, %add3A_459 : i32
      %slice3A_461 = vector.extract_strided_slice %get3A_93 {offsets = [15], sizes = [1], strides = [1]} : vector<16xi32> to vector<1xi32>
      %squeeze3A_462 = vector.extract %slice3A_461[0] : i32 from vector<1xi32>
      %dma_start3A_463 = arith.constant 0 : i32
      %dma_start3A_464 = tpu.memref_slice %arg8[%add3A_460, %dma_start3A_463] : memref<128x64xf32, #tpu.memory_space<vmem>> -> memref<1x64xf32, #tpu.memory_space<vmem>>
      %dma_start3A_465 = arith.constant 0 : i32
      %dma_start3A_466 = tpu.memref_slice %arg2[%squeeze3A_462, %dma_start3A_465] : memref<100000x64xf32, #tpu.memory_space<hbm>> -> memref<1x64xf32, #tpu.memory_space<hbm>>
      %dma_start3A_467 = arith.constant 0 : i32
      %dma_start3A_468 = tpu.memref_slice %arg8[%add3A_460, %dma_start3A_467] : memref<128x64xf32, #tpu.memory_space<vmem>> -> memref<1x64xf32, #tpu.memory_space<vmem>>
      %dma_start3A_469 = arith.constant 0 : i32
      %dma_start3A_470 = tpu.memref_slice %arg2[%squeeze3A_462, %dma_start3A_469] : memref<100000x64xf32, #tpu.memory_space<hbm>> -> memref<1x64xf32, #tpu.memory_space<hbm>>
      tpu.enqueue_dma source(%dma_start3A_470 : memref<1x64xf32, #tpu.memory_space<hbm>>) target(%dma_start3A_468 : memref<1x64xf32, #tpu.memory_space<vmem>>) target_semaphore(%arg13 : memref<!tpu.dma_semaphore, #tpu.memory_space<semaphore_mem>>)
      %slice3A_471 = vector.extract_strided_slice %get3A_98 {offsets = [15], sizes = [1], strides = [1]} : vector<16xi32> to vector<1xi32>
      %squeeze3A_472 = vector.extract %slice3A_471[0] : i32 from vector<1xi32>
      %dma_start3A_473 = arith.constant 0 : i32
      %dma_start3A_474 = tpu.memref_slice %arg9[%add3A_460, %dma_start3A_473] : memref<128x64xf32, #tpu.memory_space<vmem>> -> memref<1x64xf32, #tpu.memory_space<vmem>>
      %dma_start3A_475 = arith.constant 0 : i32
      %dma_start3A_476 = tpu.memref_slice %arg2[%squeeze3A_472, %dma_start3A_475] : memref<100000x64xf32, #tpu.memory_space<hbm>> -> memref<1x64xf32, #tpu.memory_space<hbm>>
      %dma_start3A_477 = arith.constant 0 : i32
      %dma_start3A_478 = tpu.memref_slice %arg9[%add3A_460, %dma_start3A_477] : memref<128x64xf32, #tpu.memory_space<vmem>> -> memref<1x64xf32, #tpu.memory_space<vmem>>
      %dma_start3A_479 = arith.constant 0 : i32
      %dma_start3A_480 = tpu.memref_slice %arg2[%squeeze3A_472, %dma_start3A_479] : memref<100000x64xf32, #tpu.memory_space<hbm>> -> memref<1x64xf32, #tpu.memory_space<hbm>>
      tpu.enqueue_dma source(%dma_start3A_480 : memref<1x64xf32, #tpu.memory_space<hbm>>) target(%dma_start3A_478 : memref<1x64xf32, #tpu.memory_space<vmem>>) target_semaphore(%arg14 : memref<!tpu.dma_semaphore, #tpu.memory_space<semaphore_mem>>)
    }
    %scan3A_19 = arith.constant 4 : i32
    %broadcast_in_dim3A = arith.constant 0.000000e+00 : f32
    %broadcast_in_dim3A_20 = vector.broadcast %broadcast_in_dim3A : f32 to vector<16xf32>
    %dma_wait3A_21 = arith.constant 0 : i32
    %dma_wait3A_22 = arith.constant 0 : i32
    %dma_wait3A_23 = tpu.memref_slice %arg8[%dma_wait3A_21, %dma_wait3A_22] : memref<128x64xf32, #tpu.memory_space<vmem>> -> memref<64x64xf32, #tpu.memory_space<vmem>>
    %dma_wait3A_24 = arith.constant 0 : i32
    %dma_wait3A_25 = arith.constant 0 : i32
    %dma_wait3A_26 = tpu.memref_slice %arg2[%dma_wait3A_24, %dma_wait3A_25] : memref<100000x64xf32, #tpu.memory_space<hbm>> -> memref<64x64xf32, #tpu.memory_space<hbm>>
    %dma_wait3A_27 = arith.constant 0 : i32
    %dma_wait3A_28 = arith.constant 0 : i32
    %dma_wait3A_29 = tpu.memref_slice %arg8[%dma_wait3A_27, %dma_wait3A_28] : memref<128x64xf32, #tpu.memory_space<vmem>> -> memref<64x64xf32, #tpu.memory_space<vmem>>
    %dma_wait3A_30 = arith.constant 0 : i32
    %dma_wait3A_31 = arith.constant 0 : i32
    %dma_wait3A_32 = tpu.memref_slice %arg2[%dma_wait3A_30, %dma_wait3A_31] : memref<100000x64xf32, #tpu.memory_space<hbm>> -> memref<64x64xf32, #tpu.memory_space<hbm>>
    tpu.wait_dma2 semaphore(%arg11 : memref<!tpu.dma_semaphore, #tpu.memory_space<semaphore_mem>>) src(%dma_wait3A_32 : memref<64x64xf32, #tpu.memory_space<hbm>>) dst(%dma_wait3A_29 : memref<64x64xf32, #tpu.memory_space<vmem>>)
    %dma_wait3A_33 = arith.constant 0 : i32
    %dma_wait3A_34 = arith.constant 0 : i32
    %dma_wait3A_35 = tpu.memref_slice %arg9[%dma_wait3A_33, %dma_wait3A_34] : memref<128x64xf32, #tpu.memory_space<vmem>> -> memref<64x64xf32, #tpu.memory_space<vmem>>
    %dma_wait3A_36 = arith.constant 0 : i32
    %dma_wait3A_37 = arith.constant 0 : i32
    %dma_wait3A_38 = tpu.memref_slice %arg2[%dma_wait3A_36, %dma_wait3A_37] : memref<100000x64xf32, #tpu.memory_space<hbm>> -> memref<64x64xf32, #tpu.memory_space<hbm>>
    %dma_wait3A_39 = arith.constant 0 : i32
    %dma_wait3A_40 = arith.constant 0 : i32
    %dma_wait3A_41 = tpu.memref_slice %arg9[%dma_wait3A_39, %dma_wait3A_40] : memref<128x64xf32, #tpu.memory_space<vmem>> -> memref<64x64xf32, #tpu.memory_space<vmem>>
    %dma_wait3A_42 = arith.constant 0 : i32
    %dma_wait3A_43 = arith.constant 0 : i32
    %dma_wait3A_44 = tpu.memref_slice %arg2[%dma_wait3A_42, %dma_wait3A_43] : memref<100000x64xf32, #tpu.memory_space<hbm>> -> memref<64x64xf32, #tpu.memory_space<hbm>>
    tpu.wait_dma2 semaphore(%arg12 : memref<!tpu.dma_semaphore, #tpu.memory_space<semaphore_mem>>) src(%dma_wait3A_44 : memref<64x64xf32, #tpu.memory_space<hbm>>) dst(%dma_wait3A_41 : memref<64x64xf32, #tpu.memory_space<vmem>>)
    %scan3A_45 = arith.constant 0 : i32
    %scan3A_46 = arith.constant 32 : i32
    %scan3A_47 = arith.addi %scan3A_45, %scan3A_46 : i32
    %scan3A_48 = arith.constant 1 : i32
    %scan3A_49:4 = scf.for %scan3A_89 = %scan3A_45 to %scan3A_47 step %scan3A_48 iter_args(%scan3A_90 = %broadcast_in_dim3A_20, %scan3A_91 = %broadcast_in_dim3A_20, %scan3A_92 = %broadcast_in_dim3A_20, %scan3A_93 = %broadcast_in_dim3A_20) -> (vector<16xf32>, vector<16xf32>, vector<16xf32>, vector<16xf32>)  : i32 {
      %mul3A_94 = arith.constant 2 : i32
      %mul3A_95 = arith.muli %scan3A_89, %mul3A_94 : i32
      %add3A_96 = arith.constant 0 : i32
      %add3A_97 = arith.addi %mul3A_95, %add3A_96 : i32
      %get3A = arith.index_cast %add3A_97 : i32 to index
      %get3A_98 = arith.constant 0 : index
      %get3A_99 = tpu.vector_load %arg8[%get3A, %get3A_98] {strides = array<i32>} : memref<128x64xf32, #tpu.memory_space<vmem>>, vector<1x16xf32>,
      %get3A_100 = vector.shape_cast %get3A_99 : vector<1x16xf32> to vector<16xf32>
      %get3A_101 = arith.index_cast %add3A_97 : i32 to index
      %get3A_102 = arith.constant 0 : index
      %get3A_103 = tpu.vector_load %arg9[%get3A_101, %get3A_102] {strides = array<i32>} : memref<128x64xf32, #tpu.memory_space<vmem>>, vector<1x16xf32>,
      %get3A_104 = vector.shape_cast %get3A_103 : vector<1x16xf32> to vector<16xf32>
      %sub3A = arith.subf %get3A_100, %get3A_104 : vector<16xf32>
      %mul3A_105 = arith.mulf %sub3A, %sub3A : vector<16xf32>
      %add3A_106 = arith.addf %scan3A_90, %mul3A_105 : vector<16xf32>
      %get3A_107 = arith.index_cast %add3A_97 : i32 to index
      %get3A_108 = arith.constant 16 : index
      %get3A_109 = tpu.vector_load %arg8[%get3A_107, %get3A_108] {strides = array<i32>} : memref<128x64xf32, #tpu.memory_space<vmem>>, vector<1x16xf32>,
      %get3A_110 = vector.shape_cast %get3A_109 : vector<1x16xf32> to vector<16xf32>
      %get3A_111 = arith.index_cast %add3A_97 : i32 to index
      %get3A_112 = arith.constant 16 : index
      %get3A_113 = tpu.vector_load %arg9[%get3A_111, %get3A_112] {strides = array<i32>} : memref<128x64xf32, #tpu.memory_space<vmem>>, vector<1x16xf32>,
      %get3A_114 = vector.shape_cast %get3A_113 : vector<1x16xf32> to vector<16xf32>
      %sub3A_115 = arith.subf %get3A_110, %get3A_114 : vector<16xf32>
      %mul3A_116 = arith.mulf %sub3A_115, %sub3A_115 : vector<16xf32>
      %add3A_117 = arith.addf %scan3A_91, %mul3A_116 : vector<16xf32>
      %get3A_118 = arith.index_cast %add3A_97 : i32 to index
      %get3A_119 = arith.constant 32 : index
      %get3A_120 = tpu.vector_load %arg8[%get3A_118, %get3A_119] {strides = array<i32>} : memref<128x64xf32, #tpu.memory_space<vmem>>, vector<1x16xf32>,
      %get3A_121 = vector.shape_cast %get3A_120 : vector<1x16xf32> to vector<16xf32>
      %get3A_122 = arith.index_cast %add3A_97 : i32 to index
      %get3A_123 = arith.constant 32 : index
      %get3A_124 = tpu.vector_load %arg9[%get3A_122, %get3A_123] {strides = array<i32>} : memref<128x64xf32, #tpu.memory_space<vmem>>, vector<1x16xf32>,
      %get3A_125 = vector.shape_cast %get3A_124 : vector<1x16xf32> to vector<16xf32>
      %sub3A_126 = arith.subf %get3A_121, %get3A_125 : vector<16xf32>
      %mul3A_127 = arith.mulf %sub3A_126, %sub3A_126 : vector<16xf32>
      %add3A_128 = arith.addf %scan3A_92, %mul3A_127 : vector<16xf32>
      %get3A_129 = arith.index_cast %add3A_97 : i32 to index
      %get3A_130 = arith.constant 48 : index
      %get3A_131 = tpu.vector_load %arg8[%get3A_129, %get3A_130] {strides = array<i32>} : memref<128x64xf32, #tpu.memory_space<vmem>>, vector<1x16xf32>,
      %get3A_132 = vector.shape_cast %get3A_131 : vector<1x16xf32> to vector<16xf32>
      %get3A_133 = arith.index_cast %add3A_97 : i32 to index
      %get3A_134 = arith.constant 48 : index
      %get3A_135 = tpu.vector_load %arg9[%get3A_133, %get3A_134] {strides = array<i32>} : memref<128x64xf32, #tpu.memory_space<vmem>>, vector<1x16xf32>,
      %get3A_136 = vector.shape_cast %get3A_135 : vector<1x16xf32> to vector<16xf32>
      %sub3A_137 = arith.subf %get3A_132, %get3A_136 : vector<16xf32>
      %mul3A_138 = arith.mulf %sub3A_137, %sub3A_137 : vector<16xf32>
      %add3A_139 = arith.addf %scan3A_93, %mul3A_138 : vector<16xf32>
      %mul3A_140 = arith.constant 2 : i32
      %mul3A_141 = arith.muli %scan3A_89, %mul3A_140 : i32
      %add3A_142 = arith.constant 1 : i32
      %add3A_143 = arith.addi %mul3A_141, %add3A_142 : i32
      %get3A_144 = arith.index_cast %add3A_143 : i32 to index
      %get3A_145 = arith.constant 0 : index
      %get3A_146 = tpu.vector_load %arg8[%get3A_144, %get3A_145] {strides = array<i32>} : memref<128x64xf32, #tpu.memory_space<vmem>>, vector<1x16xf32>,
      %get3A_147 = vector.shape_cast %get3A_146 : vector<1x16xf32> to vector<16xf32>
      %get3A_148 = arith.index_cast %add3A_143 : i32 to index
      %get3A_149 = arith.constant 0 : index
      %get3A_150 = tpu.vector_load %arg9[%get3A_148, %get3A_149] {strides = array<i32>} : memref<128x64xf32, #tpu.memory_space<vmem>>, vector<1x16xf32>,
      %get3A_151 = vector.shape_cast %get3A_150 : vector<1x16xf32> to vector<16xf32>
      %sub3A_152 = arith.subf %get3A_147, %get3A_151 : vector<16xf32>
      %mul3A_153 = arith.mulf %sub3A_152, %sub3A_152 : vector<16xf32>
      %add3A_154 = arith.addf %add3A_106, %mul3A_153 : vector<16xf32>
      %get3A_155 = arith.index_cast %add3A_143 : i32 to index
      %get3A_156 = arith.constant 16 : index
      %get3A_157 = tpu.vector_load %arg8[%get3A_155, %get3A_156] {strides = array<i32>} : memref<128x64xf32, #tpu.memory_space<vmem>>, vector<1x16xf32>,
      %get3A_158 = vector.shape_cast %get3A_157 : vector<1x16xf32> to vector<16xf32>
      %get3A_159 = arith.index_cast %add3A_143 : i32 to index
      %get3A_160 = arith.constant 16 : index
      %get3A_161 = tpu.vector_load %arg9[%get3A_159, %get3A_160] {strides = array<i32>} : memref<128x64xf32, #tpu.memory_space<vmem>>, vector<1x16xf32>,
      %get3A_162 = vector.shape_cast %get3A_161 : vector<1x16xf32> to vector<16xf32>
      %sub3A_163 = arith.subf %get3A_158, %get3A_162 : vector<16xf32>
      %mul3A_164 = arith.mulf %sub3A_163, %sub3A_163 : vector<16xf32>
      %add3A_165 = arith.addf %add3A_117, %mul3A_164 : vector<16xf32>
      %get3A_166 = arith.index_cast %add3A_143 : i32 to index
      %get3A_167 = arith.constant 32 : index
      %get3A_168 = tpu.vector_load %arg8[%get3A_166, %get3A_167] {strides = array<i32>} : memref<128x64xf32, #tpu.memory_space<vmem>>, vector<1x16xf32>,
      %get3A_169 = vector.shape_cast %get3A_168 : vector<1x16xf32> to vector<16xf32>
      %get3A_170 = arith.index_cast %add3A_143 : i32 to index
      %get3A_171 = arith.constant 32 : index
      %get3A_172 = tpu.vector_load %arg9[%get3A_170, %get3A_171] {strides = array<i32>} : memref<128x64xf32, #tpu.memory_space<vmem>>, vector<1x16xf32>,
      %get3A_173 = vector.shape_cast %get3A_172 : vector<1x16xf32> to vector<16xf32>
      %sub3A_174 = arith.subf %get3A_169, %get3A_173 : vector<16xf32>
      %mul3A_175 = arith.mulf %sub3A_174, %sub3A_174 : vector<16xf32>
      %add3A_176 = arith.addf %add3A_128, %mul3A_175 : vector<16xf32>
      %get3A_177 = arith.index_cast %add3A_143 : i32 to index
      %get3A_178 = arith.constant 48 : index
      %get3A_179 = tpu.vector_load %arg8[%get3A_177, %get3A_178] {strides = array<i32>} : memref<128x64xf32, #tpu.memory_space<vmem>>, vector<1x16xf32>,
      %get3A_180 = vector.shape_cast %get3A_179 : vector<1x16xf32> to vector<16xf32>
      %get3A_181 = arith.index_cast %add3A_143 : i32 to index
      %get3A_182 = arith.constant 48 : index
      %get3A_183 = tpu.vector_load %arg9[%get3A_181, %get3A_182] {strides = array<i32>} : memref<128x64xf32, #tpu.memory_space<vmem>>, vector<1x16xf32>,
      %get3A_184 = vector.shape_cast %get3A_183 : vector<1x16xf32> to vector<16xf32>
      %sub3A_185 = arith.subf %get3A_180, %get3A_184 : vector<16xf32>
      %mul3A_186 = arith.mulf %sub3A_185, %sub3A_185 : vector<16xf32>
      %add3A_187 = arith.addf %add3A_139, %mul3A_186 : vector<16xf32>
      scf.yield %add3A_154, %add3A_165, %add3A_176, %add3A_187 : vector<16xf32>, vector<16xf32>, vector<16xf32>, vector<16xf32>
    }
    %scan3A_50 = arith.constant 32 : i32
    %dma_wait3A_51 = arith.constant 64 : i32
    %dma_wait3A_52 = arith.constant 0 : i32
    %dma_wait3A_53 = tpu.memref_slice %arg8[%dma_wait3A_51, %dma_wait3A_52] : memref<128x64xf32, #tpu.memory_space<vmem>> -> memref<64x64xf32, #tpu.memory_space<vmem>>
    %dma_wait3A_54 = arith.constant 0 : i32
    %dma_wait3A_55 = arith.constant 0 : i32
    %dma_wait3A_56 = tpu.memref_slice %arg2[%dma_wait3A_54, %dma_wait3A_55] : memref<100000x64xf32, #tpu.memory_space<hbm>> -> memref<64x64xf32, #tpu.memory_space<hbm>>
    %dma_wait3A_57 = arith.constant 64 : i32
    %dma_wait3A_58 = arith.constant 0 : i32
    %dma_wait3A_59 = tpu.memref_slice %arg8[%dma_wait3A_57, %dma_wait3A_58] : memref<128x64xf32, #tpu.memory_space<vmem>> -> memref<64x64xf32, #tpu.memory_space<vmem>>
    %dma_wait3A_60 = arith.constant 0 : i32
    %dma_wait3A_61 = arith.constant 0 : i32
    %dma_wait3A_62 = tpu.memref_slice %arg2[%dma_wait3A_60, %dma_wait3A_61] : memref<100000x64xf32, #tpu.memory_space<hbm>> -> memref<64x64xf32, #tpu.memory_space<hbm>>
    tpu.wait_dma2 semaphore(%arg13 : memref<!tpu.dma_semaphore, #tpu.memory_space<semaphore_mem>>) src(%dma_wait3A_62 : memref<64x64xf32, #tpu.memory_space<hbm>>) dst(%dma_wait3A_59 : memref<64x64xf32, #tpu.memory_space<vmem>>)
    %dma_wait3A_63 = arith.constant 64 : i32
    %dma_wait3A_64 = arith.constant 0 : i32
    %dma_wait3A_65 = tpu.memref_slice %arg9[%dma_wait3A_63, %dma_wait3A_64] : memref<128x64xf32, #tpu.memory_space<vmem>> -> memref<64x64xf32, #tpu.memory_space<vmem>>
    %dma_wait3A_66 = arith.constant 0 : i32
    %dma_wait3A_67 = arith.constant 0 : i32
    %dma_wait3A_68 = tpu.memref_slice %arg2[%dma_wait3A_66, %dma_wait3A_67] : memref<100000x64xf32, #tpu.memory_space<hbm>> -> memref<64x64xf32, #tpu.memory_space<hbm>>
    %dma_wait3A_69 = arith.constant 64 : i32
    %dma_wait3A_70 = arith.constant 0 : i32
    %dma_wait3A_71 = tpu.memref_slice %arg9[%dma_wait3A_69, %dma_wait3A_70] : memref<128x64xf32, #tpu.memory_space<vmem>> -> memref<64x64xf32, #tpu.memory_space<vmem>>
    %dma_wait3A_72 = arith.constant 0 : i32
    %dma_wait3A_73 = arith.constant 0 : i32
    %dma_wait3A_74 = tpu.memref_slice %arg2[%dma_wait3A_72, %dma_wait3A_73] : memref<100000x64xf32, #tpu.memory_space<hbm>> -> memref<64x64xf32, #tpu.memory_space<hbm>>
    tpu.wait_dma2 semaphore(%arg14 : memref<!tpu.dma_semaphore, #tpu.memory_space<semaphore_mem>>) src(%dma_wait3A_74 : memref<64x64xf32, #tpu.memory_space<hbm>>) dst(%dma_wait3A_71 : memref<64x64xf32, #tpu.memory_space<vmem>>)
    %scan3A_75 = arith.constant 32 : i32
    %scan3A_76 = arith.constant 32 : i32
    %scan3A_77 = arith.addi %scan3A_75, %scan3A_76 : i32
    %scan3A_78 = arith.constant 1 : i32
    %scan3A_79:4 = scf.for %scan3A_89 = %scan3A_75 to %scan3A_77 step %scan3A_78 iter_args(%scan3A_90 = %scan3A_49#0, %scan3A_91 = %scan3A_49#1, %scan3A_92 = %scan3A_49#2, %scan3A_93 = %scan3A_49#3) -> (vector<16xf32>, vector<16xf32>, vector<16xf32>, vector<16xf32>)  : i32 {
      %mul3A_94 = arith.constant 2 : i32
      %mul3A_95 = arith.muli %scan3A_89, %mul3A_94 : i32
      %add3A_96 = arith.constant 0 : i32
      %add3A_97 = arith.addi %mul3A_95, %add3A_96 : i32
      %get3A = arith.index_cast %add3A_97 : i32 to index
      %get3A_98 = arith.constant 0 : index
      %get3A_99 = tpu.vector_load %arg8[%get3A, %get3A_98] {strides = array<i32>} : memref<128x64xf32, #tpu.memory_space<vmem>>, vector<1x16xf32>,
      %get3A_100 = vector.shape_cast %get3A_99 : vector<1x16xf32> to vector<16xf32>
      %get3A_101 = arith.index_cast %add3A_97 : i32 to index
      %get3A_102 = arith.constant 0 : index
      %get3A_103 = tpu.vector_load %arg9[%get3A_101, %get3A_102] {strides = array<i32>} : memref<128x64xf32, #tpu.memory_space<vmem>>, vector<1x16xf32>,
      %get3A_104 = vector.shape_cast %get3A_103 : vector<1x16xf32> to vector<16xf32>
      %sub3A = arith.subf %get3A_100, %get3A_104 : vector<16xf32>
      %mul3A_105 = arith.mulf %sub3A, %sub3A : vector<16xf32>
      %add3A_106 = arith.addf %scan3A_90, %mul3A_105 : vector<16xf32>
      %get3A_107 = arith.index_cast %add3A_97 : i32 to index
      %get3A_108 = arith.constant 16 : index
      %get3A_109 = tpu.vector_load %arg8[%get3A_107, %get3A_108] {strides = array<i32>} : memref<128x64xf32, #tpu.memory_space<vmem>>, vector<1x16xf32>,
      %get3A_110 = vector.shape_cast %get3A_109 : vector<1x16xf32> to vector<16xf32>
      %get3A_111 = arith.index_cast %add3A_97 : i32 to index
      %get3A_112 = arith.constant 16 : index
      %get3A_113 = tpu.vector_load %arg9[%get3A_111, %get3A_112] {strides = array<i32>} : memref<128x64xf32, #tpu.memory_space<vmem>>, vector<1x16xf32>,
      %get3A_114 = vector.shape_cast %get3A_113 : vector<1x16xf32> to vector<16xf32>
      %sub3A_115 = arith.subf %get3A_110, %get3A_114 : vector<16xf32>
      %mul3A_116 = arith.mulf %sub3A_115, %sub3A_115 : vector<16xf32>
      %add3A_117 = arith.addf %scan3A_91, %mul3A_116 : vector<16xf32>
      %get3A_118 = arith.index_cast %add3A_97 : i32 to index
      %get3A_119 = arith.constant 32 : index
      %get3A_120 = tpu.vector_load %arg8[%get3A_118, %get3A_119] {strides = array<i32>} : memref<128x64xf32, #tpu.memory_space<vmem>>, vector<1x16xf32>,
      %get3A_121 = vector.shape_cast %get3A_120 : vector<1x16xf32> to vector<16xf32>
      %get3A_122 = arith.index_cast %add3A_97 : i32 to index
      %get3A_123 = arith.constant 32 : index
      %get3A_124 = tpu.vector_load %arg9[%get3A_122, %get3A_123] {strides = array<i32>} : memref<128x64xf32, #tpu.memory_space<vmem>>, vector<1x16xf32>,
      %get3A_125 = vector.shape_cast %get3A_124 : vector<1x16xf32> to vector<16xf32>
      %sub3A_126 = arith.subf %get3A_121, %get3A_125 : vector<16xf32>
      %mul3A_127 = arith.mulf %sub3A_126, %sub3A_126 : vector<16xf32>
      %add3A_128 = arith.addf %scan3A_92, %mul3A_127 : vector<16xf32>
      %get3A_129 = arith.index_cast %add3A_97 : i32 to index
      %get3A_130 = arith.constant 48 : index
      %get3A_131 = tpu.vector_load %arg8[%get3A_129, %get3A_130] {strides = array<i32>} : memref<128x64xf32, #tpu.memory_space<vmem>>, vector<1x16xf32>,
      %get3A_132 = vector.shape_cast %get3A_131 : vector<1x16xf32> to vector<16xf32>
      %get3A_133 = arith.index_cast %add3A_97 : i32 to index
      %get3A_134 = arith.constant 48 : index
      %get3A_135 = tpu.vector_load %arg9[%get3A_133, %get3A_134] {strides = array<i32>} : memref<128x64xf32, #tpu.memory_space<vmem>>, vector<1x16xf32>,
      %get3A_136 = vector.shape_cast %get3A_135 : vector<1x16xf32> to vector<16xf32>
      %sub3A_137 = arith.subf %get3A_132, %get3A_136 : vector<16xf32>
      %mul3A_138 = arith.mulf %sub3A_137, %sub3A_137 : vector<16xf32>
      %add3A_139 = arith.addf %scan3A_93, %mul3A_138 : vector<16xf32>
      %mul3A_140 = arith.constant 2 : i32
      %mul3A_141 = arith.muli %scan3A_89, %mul3A_140 : i32
      %add3A_142 = arith.constant 1 : i32
      %add3A_143 = arith.addi %mul3A_141, %add3A_142 : i32
      %get3A_144 = arith.index_cast %add3A_143 : i32 to index
      %get3A_145 = arith.constant 0 : index
      %get3A_146 = tpu.vector_load %arg8[%get3A_144, %get3A_145] {strides = array<i32>} : memref<128x64xf32, #tpu.memory_space<vmem>>, vector<1x16xf32>,
      %get3A_147 = vector.shape_cast %get3A_146 : vector<1x16xf32> to vector<16xf32>
      %get3A_148 = arith.index_cast %add3A_143 : i32 to index
      %get3A_149 = arith.constant 0 : index
      %get3A_150 = tpu.vector_load %arg9[%get3A_148, %get3A_149] {strides = array<i32>} : memref<128x64xf32, #tpu.memory_space<vmem>>, vector<1x16xf32>,
      %get3A_151 = vector.shape_cast %get3A_150 : vector<1x16xf32> to vector<16xf32>
      %sub3A_152 = arith.subf %get3A_147, %get3A_151 : vector<16xf32>
      %mul3A_153 = arith.mulf %sub3A_152, %sub3A_152 : vector<16xf32>
      %add3A_154 = arith.addf %add3A_106, %mul3A_153 : vector<16xf32>
      %get3A_155 = arith.index_cast %add3A_143 : i32 to index
      %get3A_156 = arith.constant 16 : index
      %get3A_157 = tpu.vector_load %arg8[%get3A_155, %get3A_156] {strides = array<i32>} : memref<128x64xf32, #tpu.memory_space<vmem>>, vector<1x16xf32>,
      %get3A_158 = vector.shape_cast %get3A_157 : vector<1x16xf32> to vector<16xf32>
      %get3A_159 = arith.index_cast %add3A_143 : i32 to index
      %get3A_160 = arith.constant 16 : index
      %get3A_161 = tpu.vector_load %arg9[%get3A_159, %get3A_160] {strides = array<i32>} : memref<128x64xf32, #tpu.memory_space<vmem>>, vector<1x16xf32>,
      %get3A_162 = vector.shape_cast %get3A_161 : vector<1x16xf32> to vector<16xf32>
      %sub3A_163 = arith.subf %get3A_158, %get3A_162 : vector<16xf32>
      %mul3A_164 = arith.mulf %sub3A_163, %sub3A_163 : vector<16xf32>
      %add3A_165 = arith.addf %add3A_117, %mul3A_164 : vector<16xf32>
      %get3A_166 = arith.index_cast %add3A_143 : i32 to index
      %get3A_167 = arith.constant 32 : index
      %get3A_168 = tpu.vector_load %arg8[%get3A_166, %get3A_167] {strides = array<i32>} : memref<128x64xf32, #tpu.memory_space<vmem>>, vector<1x16xf32>,
      %get3A_169 = vector.shape_cast %get3A_168 : vector<1x16xf32> to vector<16xf32>
      %get3A_170 = arith.index_cast %add3A_143 : i32 to index
      %get3A_171 = arith.constant 32 : index
      %get3A_172 = tpu.vector_load %arg9[%get3A_170, %get3A_171] {strides = array<i32>} : memref<128x64xf32, #tpu.memory_space<vmem>>, vector<1x16xf32>,
      %get3A_173 = vector.shape_cast %get3A_172 : vector<1x16xf32> to vector<16xf32>
      %sub3A_174 = arith.subf %get3A_169, %get3A_173 : vector<16xf32>
      %mul3A_175 = arith.mulf %sub3A_174, %sub3A_174 : vector<16xf32>
      %add3A_176 = arith.addf %add3A_128, %mul3A_175 : vector<16xf32>
      %get3A_177 = arith.index_cast %add3A_143 : i32 to index
      %get3A_178 = arith.constant 48 : index
      %get3A_179 = tpu.vector_load %arg8[%get3A_177, %get3A_178] {strides = array<i32>} : memref<128x64xf32, #tpu.memory_space<vmem>>, vector<1x16xf32>,
      %get3A_180 = vector.shape_cast %get3A_179 : vector<1x16xf32> to vector<16xf32>
      %get3A_181 = arith.index_cast %add3A_143 : i32 to index
      %get3A_182 = arith.constant 48 : index
      %get3A_183 = tpu.vector_load %arg9[%get3A_181, %get3A_182] {strides = array<i32>} : memref<128x64xf32, #tpu.memory_space<vmem>>, vector<1x16xf32>,
      %get3A_184 = vector.shape_cast %get3A_183 : vector<1x16xf32> to vector<16xf32>
      %sub3A_185 = arith.subf %get3A_180, %get3A_184 : vector<16xf32>
      %mul3A_186 = arith.mulf %sub3A_185, %sub3A_185 : vector<16xf32>
      %add3A_187 = arith.addf %add3A_139, %mul3A_186 : vector<16xf32>
      scf.yield %add3A_154, %add3A_165, %add3A_176, %add3A_187 : vector<16xf32>, vector<16xf32>, vector<16xf32>, vector<16xf32>
    }
    %scan3A_80 = arith.constant 32 : i32
    %add3A_81 = arith.addf %scan3A_79#0, %scan3A_79#1 : vector<16xf32>
    %add3A_82 = arith.addf %add3A_81, %scan3A_79#2 : vector<16xf32>
    %add3A_83 = arith.addf %add3A_82, %scan3A_79#3 : vector<16xf32>
    %swap3A = arith.constant 0 : index
    %swap3A_84 = tpu.vector_load %arg10[%swap3A] {strides = array<i32>} : memref<16xf32, #tpu.memory_space<vmem>>, vector<16xf32>,
    %swap3A_85 = vector.shape_cast %swap3A_84 : vector<16xf32> to vector<16xf32>
    %swap3A_86 = vector.shape_cast %add3A_83 : vector<16xf32> to vector<16xf32>
    tpu.vector_store %arg10[%swap3A], %swap3A_86 {strides = array<i32>} : memref<16xf32, #tpu.memory_space<vmem>>, vector<16xf32>,
    %mul3A_87 = arith.constant 16 : i32
    %mul3A_88 = arith.muli %add3A, %mul3A_87 : i32
    "tpu.region"() ({
      %run_scoped3A = tpu.sem_alloc : memref<!tpu.dma_semaphore, #tpu.memory_space<semaphore_mem>>
      %dma_start3A_89 = tpu.memref_slice %arg5[%mul3A_88] : memref<512xf32, #tpu.memory_space<hbm>> -> memref<16xf32, #tpu.memory_space<hbm>>
      %dma_start3A_90 = tpu.memref_slice %arg5[%mul3A_88] : memref<512xf32, #tpu.memory_space<hbm>> -> memref<16xf32, #tpu.memory_space<hbm>>
      tpu.enqueue_dma source(%arg10 : memref<16xf32, #tpu.memory_space<vmem>>) target(%dma_start3A_90 : memref<16xf32, #tpu.memory_space<hbm>>) target_semaphore(%run_scoped3A : memref<!tpu.dma_semaphore, #tpu.memory_space<semaphore_mem>>)
      %dma_wait3A_91 = tpu.memref_slice %arg5[%mul3A_88] : memref<512xf32, #tpu.memory_space<hbm>> -> memref<16xf32, #tpu.memory_space<hbm>>
      %dma_wait3A_92 = tpu.memref_slice %arg5[%mul3A_88] : memref<512xf32, #tpu.memory_space<hbm>> -> memref<16xf32, #tpu.memory_space<hbm>>
      tpu.wait_dma2 semaphore(%run_scoped3A : memref<!tpu.dma_semaphore, #tpu.memory_space<semaphore_mem>>) src(%arg10 : memref<16xf32, #tpu.memory_space<vmem>>) dst(%dma_wait3A_92 : memref<16xf32, #tpu.memory_space<hbm>>)
      tpu.yield
    }) : () -> ()
    return
  }
}

</mosaic_0001>

<sc_bundles>
// kernel: kernel.3.cloned.1.call-start
scs
__scs_entry_jumppad:
0x0: {  	(pc) =	sbr.rel $0x88, $3  }
0x1: {  	(tag) =	ssettag $0x0;
	lr =	simm.s32 $0x1  }
0x2: {  	[smem:$0x3F9E] =	sst lr;
	_ =	strace $0xD0000000  }
0x3: {  	_ = 	snop  }
0x4: {  	_ = 	snop  }
0x5: {  	_ = 	snop  }
0x6: {  	_ = 	snop  }
0x7: {  	_ = 	snop  }
__scs_overlays_trampoline_lowered:
0x8: {  	[smem:$0x3FAD] =	sst s0  }
0x9: {  	[smem:$0x3FAE] =	sst s1  }
0xa: {  	[smem:$0x3FAF] =	sst s2  }
0xb: {  	[smem:$0x3FB0] =	sst s3  }
0xc: {  	[smem:$0x3FB1] =	sst s4  }
0xd: {  	[smem:$0x3FB2] =	sst s5  }
0xe: {  	[smem:$0x3FB3] =	sst s6  }
0xf: {  	[smem:$0x3FB4] =	sst s7  }
0x10: {  	[smem:$0x3FB5] =	sst s8  }
0x11: {  	[smem:$0x3FB6] =	sst s9;
	s0 =	simm.s32 @!p0 $0x0  }
0x12: {  	s1 =	sld [smem:$0x3F9C];
	s0 =	simm.s32 @p0 $0x1  }
0x13: {  	[smem:$0x3FB7] =	sst s0;
	s0 =	simm.s32 @!p1 $0x0  }
0x14: {  	s2 =	sld [smem:$0x3F9B];
	s0 =	simm.s32 @p1 $0x1  }
0x15: {  	[smem:$0x3FB8] =	sst s0;
	s0 =	simm.s32 @!p2 $0x0  }
0x16: {  	s3 =	sld [smem:$0x3FDB];
	s0 =	simm.s32 @p2 $0x1  }
0x17: {  	s4 =	simm.s32 $0x1BF5;
	[smem:$0x3FBA] =	sst s0  }
0x18: {  	s0 =	sld [smem:$0x3F9D];
	_ =	swait.ge [sflag:s4], $0x0  }
0x19: {  	s7 =	sld [smem:$0x3F9E]  }
0x1a: {  	s8 =	sadd.s32 $0xFFFFE003, lr  }
0x1b: {  	s9 =	sadd.s32 $0xFFFFFEF7, lr;
	s5 =	simm.s32 $0xFFFFFFFF;
	p2 =	slt.u32 s8, $0xFFFFF086  }
0x1c: {  	p1 =	slt.u32 s9, $0xF7A;
	s5 =	simm.s32 @!p2 $0x0  }
0x1d: {  	s5 =	simm.s32 @p1 $0x1;
	p0 =	seq.s32 s7, s2  }
0x1e: {  	s7 =	smul.u32 @!p0 $0xF7A, s2;
	p2 =	seq.s32 @!p0 s5, $0x0  }
0x1f: {  	s9 =	smul.u32 $0xF7A, s1;
	s8 =	simm.s32 @!p0 $0x1BF5;
	p2 =	por !p2, p0  }
0x20: {  	[sflag:s8] =	ssyncset.s32 @!p0 $0xFFFFF086;
	s6 =	sadd.s32 @!p0 s3, s7;
	s7 =	simm.s32 @!p0 $0x108  }
0x21: {  	s3 =	sadd.s32 s3, s9;
	s6 =	sadd.s32 @!p0 $0x88, s6;
	s7 =	simm.s32 @p2 $0x1082  }
0x22: {  	[simem:s7], [sflag:s8] =	dma.local @!p0 [hbm:s6], $0xF7A  }
0x23: {  	s9 =	sor.u32 $0xD0000000, s2;
	s6 =	simm.s32 $0x108;
	_ =	swait.ge @!p0 [sflag:s8], $0x0  }
0x24: {  	s3 =	sadd.s32 $0x88, s3;
	s6 =	simm.s32 @!p1 $0x1082;
	[sflag:s4] =	ssyncset.s32 $0xFFFFF086  }
0x25: {  	[simem:s6], [sflag:s4] =	dma.local [hbm:s3], $0xF7A  }
0x26: {  	[smem:$0x3F9E] =	sst s1;
	(tag) =	ssettag s2;
	_ =	strace s9  }
0x27: {  	s1 =	sld [smem:$0x3FAE]  }
0x28: {  	s2 =	sld [smem:$0x3FAF]  }
0x29: {  	s4 =	sld [smem:$0x3FB1]  }
0x2a: {  	p0 =	seq.s32 s5, $0x0;
	s5 =	sld [smem:$0x3FB2]  }
0x2b: {  	s6 =	sld [smem:$0x3FB3]  }
0x2c: {  	s7 =	sld [smem:$0x3FB4]  }
0x2d: {  	s3 =	simm.s32 $0x108;
	s8 =	sld [smem:$0x3FB5]  }
0x2e: {  	s3 =	simm.s32 @!p0 $0x1082;
	s9 =	sld [smem:$0x3FB6]  }
0x2f: {  	lr =	sadd.s32 s0, s3;
	s0 =	sld [smem:$0x3FAD]  }
0x30: {  	s3 =	sld [smem:$0x3FB0]  }
0x31: {  	[smem:$0x3FB9] =	sst s10  }
0x32: {  	s10 =	sld [smem:$0x3FB7];
	_ =	sdelay $0x3  }
0x33: {  	p0 =	seq.s32 s10, $0x1;
	s10 =	sld [smem:$0x3FB9];
	_ =	sdelay $0x3  }
0x34: {  	[smem:$0x3FB9] =	sst s10  }
0x35: {  	s10 =	sld [smem:$0x3FB8];
	_ =	sdelay $0x3  }
0x36: {  	p1 =	seq.s32 s10, $0x1;
	s10 =	sld [smem:$0x3FB9];
	_ =	sdelay $0x3  }
0x37: {  	[smem:$0x3FB9] =	sst s10  }
0x38: {  	s10 =	sld [smem:$0x3FBA]  }
0x39: {  	_ = 	snop;
	(pc) =	sbr.ind lr, $3  }
0x3a: {  	_ = 	snop  }
0x3b: {  	_ = 	snop  }
0x3c: {  	p2 =	seq.s32 s10, $0x1;
	s10 =	sld [smem:$0x3FB9]  }
0x3d: {  	_ =	shalt  }
0x3e: {  	_ =	shalt  }
0x3f: {  	_ =	shalt  }
0x40: {  	_ =	shalt  }
0x41: {  	_ =	shalt  }
0x42: {  	_ =	shalt  }
0x43: {  	_ =	shalt  }
0x44: {  	_ =	shalt  }
0x45: {  	_ =	shalt  }
0x46: {  	_ =	shalt  }
0x47: {  	_ =	shalt  }
0x48: {  	_ =	shalt  }
0x49: {  	_ =	shalt  }
0x4a: {  	_ =	shalt  }
0x4b: {  	_ =	shalt  }
0x4c: {  	_ =	shalt  }
0x4d: {  	_ =	shalt  }
0x4e: {  	_ =	shalt  }
0x4f: {  	_ =	shalt  }
0x50: {  	_ =	shalt  }
0x51: {  	_ =	shalt  }
0x52: {  	_ =	shalt  }
0x53: {  	_ =	shalt  }
0x54: {  	_ =	shalt  }
0x55: {  	_ =	shalt  }
0x56: {  	_ =	shalt  }
0x57: {  	_ =	shalt  }
0x58: {  	_ =	shalt  }
0x59: {  	_ =	shalt  }
0x5a: {  	_ =	shalt  }
0x5b: {  	_ =	shalt  }
0x5c: {  	_ =	shalt  }
0x5d: {  	_ =	shalt  }
0x5e: {  	_ =	shalt  }
0x5f: {  	_ =	shalt  }
0x60: {  	_ =	shalt  }
0x61: {  	_ =	shalt  }
0x62: {  	_ =	shalt  }
0x63: {  	_ =	shalt  }
0x64: {  	_ =	shalt  }
0x65: {  	_ =	shalt  }
0x66: {  	_ =	shalt  }
0x67: {  	_ =	shalt  }
0x68: {  	_ =	shalt  }
0x69: {  	_ =	shalt  }
0x6a: {  	_ =	shalt  }
0x6b: {  	_ =	shalt  }
0x6c: {  	_ =	shalt  }
0x6d: {  	_ =	shalt  }
0x6e: {  	_ =	shalt  }
0x6f: {  	_ =	shalt  }
0x70: {  	_ =	shalt  }
0x71: {  	_ =	shalt  }
0x72: {  	_ =	shalt  }
0x73: {  	_ =	shalt  }
0x74: {  	_ =	shalt  }
0x75: {  	_ =	shalt  }
0x76: {  	_ =	shalt  }
0x77: {  	_ =	shalt  }
0x78: {  	_ =	shalt  }
0x79: {  	_ =	shalt  }
0x7a: {  	_ =	shalt  }
0x7b: {  	_ =	shalt  }
0x7c: {  	_ =	shalt  }
0x7d: {  	_ =	shalt  }
0x7e: {  	_ =	shalt  }
0x7f: {  	_ =	shalt  }
0x80: {  	_ =	shalt  }
0x81: {  	_ =	shalt  }
0x82: {  	_ =	shalt  }
0x83: {  	_ =	shalt  }
0x84: {  	_ =	shalt  }
0x85: {  	_ =	shalt  }
0x86: {  	_ =	shalt  }
0x87: {  	_ =	shalt  }
.Lfunc_end0:
.L_simem_size_0:
called_computation_lowered:
.L_overlay_start_0:
0x88: {  	s2 =	sld [smem:$0x3FD9]  }
0x89: {  	s3 =	sld [smem:$0x3FFE];
	_ =	sdelay $0x1  }
0x8a: {  	s1 =	srdreg.scid  }
0x8b: {  	s0 =	sand.u32 $0x1, s1  }
0x8c: {  	s17 =	sshll.u32 s0, $0xA;
	s2 =	sadd.s32 s3, s2  }
0x8d: {  	s2 =	sadd.s32 s2, s17  }
0x8e: {  	[smem:$0x3FC5] =	sst s2  }
0x8f: {  	_ = 	snop  }
0x90: {  	s2 =	sld [smem:$0x3FC8]  }
0x91: {  	s18 =	sld [smem:$0x3FC7];
	(tm) =	ssettm $0x1  }
0x92: {  	s4 =	sld [smem:$0x3FFB];
	_ =	sdelay $0x3  }
0x93: {  	_ =	strace s4  }
0x94: {  	s4 =	sld [smem:$0x3FFC];
	_ =	sdelay $0x3  }
0x95: {  	_ =	strace s4  }
0x96: {  	s4 =	sld [smem:$0x3FFD];
	_ =	sdelay $0x3  }
0x97: {  	_ =	strace s4  }
0x98: {  	_ =	strace $0x8FFFFFFF  }
0x99: {  	s19 =	sld [smem:$0x3FDB];
	_ =	sdelay $0x1  }
0x9a: {  	s5 =	simm.s32 $_scs_section_size  }
0x9b: {  	s6 =	simm.s32 $_size__tile_overlayer_lowered;
	s7 =	simm.s32 $_tile_overlayer_lowered  }
0x9c: {  	s22 =	simm.s32 $0x1BFF;
	s21 =	sshll.u32 s7, $0x1;
	s4 =	sadd.s32 s5, s19  }
0x9d: {  	s8 =	simm.s32 $0x0;
	s20 =	sshll.u32 s6, $0x1;
	s6 =	sadd.s32 s21, s4  }
0x9e: {  	[timem:s8], [sflag:s22] =	dma.local [hbm:s6], s20  }
0x9f: {  	_ =	swait.ge [sflag:s22], s20  }
0xa0: {  	s5 =	ssub.s32 $0x0, s20;
	[sflag:s22] =	ssyncset.done $0x0  }
0xa1: {  	[sflag:s22] =	ssyncadd.s32 s5;
	_ =	sdelay $0x1  }
0xa2: {  	s23 =	simm.s32 $0x1B8B  }
0xa3: {  	_ =	swait.ge [sflag:s23], $0x1  }
0xa4: {  	[sflag:s23] =	ssyncset.done $0x0  }
0xa5: {  	s25 =	simm.s32 $0x1B8E;
	s24 =	sld [smem:$0x3FFE];
	[sflag:s23] =	ssyncadd.s32 $0xFFFFFFFF  }
0xa6: {  	s26 =	simm.s32 $execute0_lowered;
	[smem:$0x3FD2] =	sst s25  }
0xa7: {  	s6 =	sshll.u32 s26, $0x1;
	_ =	strace $0x80000046;
	[dreg:$0x1] =	wrdreg $0xFFFFFFFF  }
0xa8: {  	s28 =	simm.s32 $_size_execute0_lowered;
	s4 =	sadd.s32 s4, s6;
	[dreg:$0x0] =	wrdreg $0x0  }
0xa9: {  	s6 =	sshll.u32 s28, $0x1;
	[dreg:$0x2] =	wrdreg s4  }
0xaa: {  	[dreg:$0x3] =	wrdreg s6  }
0xab: {  	[dreg:$0x4] =	wrdreg $0xC0  }
0xac: {  	_ =	task [dreg:s8], $0x5FFFF  }
0xad: {  	[dreg:$0x1] =	wrdreg $0xFFFFFFFF  }
0xae: {  	[dreg:$0x0] =	wrdreg $0x60  }
0xaf: {  	[dreg:$0x2] =	wrdreg s24  }
0xb0: {  	[dreg:$0x3] =	wrdreg s2  }
0xb1: {  	[dreg:$0x4] =	wrdreg s18  }
0xb2: {  	[dreg:$0x5] =	wrdreg $0x9  }
0xb3: {  	_ =	task.clear_ibuf [dreg:s8], $0x6FFFF;
	_ =	strace $0x90000046  }
0xb4: {  	s29 =	simm.s32 $0x9;
	_ =	strace $0x80000048  }
0xb5: {  	_ =	swait.ge [sflag:s29], $0x1  }
0xb6: {  	[sflag:s29] =	ssyncadd.s32 $0xFFFFFFFF  }
0xb7: {  	_ =	strace $0x90000048  }
0xb8: {  	_ =	sfence  }
0xb9: {  	s30 =	sld [smem:$0x0];
	_ =	sdelay $0x2  }
0xba: {  	s31 =	sshll.u32 s1, $0xD;
	s1 =	sshrl.u32 s1, $0x2  }
0xbb: {  	s3 =	sand.u32 $0x4000, s31;
	s1 =	sadd.s32 s1, s30  }
0xbc: {  	s0 =	sor.u32 s3, s0;
	s1 =	sshll.u32 s1, $0x11  }
0xbd: {  	s0 =	sor.u32 s1, s0  }
0xbe: {  	s0 =	sadd.s32 $0x8F2B, s0  }
0xbf: {  	[sflag:s0] =	ssyncadd.remote.s32 $0x1  }
0xc0: {  	_ =	sfence.sel $0xFFFF  }
0xc1: {  	[dreg:$0x0] =	wrdreg $0xFFFFFFFF;
	(pc) =	sbr.abs _section_cstart, $3  }
0xc2: {  	[dreg:$0x1] =	wrdreg $0xFFFFFFFF  }
0xc3: {  	_ =	task.clear_ibuf [dreg:s8], $0x2FFFF;
	_ =	strace $0x9FFFFFFF  }
0xc4: {  	(tm) =	ssettm $0x7FFFFFFF  }
0xc5: {  	_ =	shalt  }
tec
execute0_lowered:
.L_overlay_start_1:
0x0: {  	(tag) =	ssettag $0x1  }
0x1: {  	s1 =	rddreg [dreg:$0x0]  }
0x2: {  	s0 =	rddreg [dreg:$0x1]  }
0x3: {  	s2 =	rddreg [dreg:$0x2]  }
0x4: {  	s4 =	srdreg.scid;
	s3 =	stileid.u32  }
0x5: {  	s12 =	simm.s32 $0x0;
	s4 =	sand.u32 $0x1, s4;
	s5 =	sshll.u32 s3, $0x1  }
0x6: {  	[smem:$0x7FF] =	sst s12;
	s5 =	sor.u32 s4, s5  }
0x7: {  	s4 =	ssub.s32 $0x2, s4;
	s6 =	sshll.u32 s5, $0x1;
	s5 =	sshll.u32 s5, $0x4  }
0x8: {  	_ =	strace $0x80000047;
	s7 =	sshrl.u32 s4, $0x1;
	s0 =	sadd.s32 s0, s5  }
0x9: {  	s6 =	sadd.s32 s6, s1;
	s29 =	sadd.s32 s2, s5;
	[dreg:$0x14] =	wrdreg s0  }
0xa: {  	s4 =	ssub.s32 s4, s7;
	[dreg:$0x15] =	wrdreg s29;
	s30 =	sadd.s32 $0x186A00, s6  }
0xb: {  	s3 =	simm.s32 $0x1;
	s31 =	smax.u32 s4, $0x1;
	[dreg:$0x16] =	wrdreg s30  }
0xc: {  	s5 =	simm.s32 $0x0;
	s4 =	simm.s32 $0x2;
	[dreg:$0x17] =	wrdreg s31  }
.LBB2_1:
0xd: {  	[dreg:$0x18] =	wrdreg s5  }
0xe: {  	s0 =	rddreg [dreg:$0x14]  }
0xf: {  	[tilespmem:s12], [sflag:$0x1] =	stream.linear.gather [hbm4b:s0+s12], $0x80, $0x38;
	[tilespmem:$0x8180] =	vst v63  }
0x10: {  	s24 =	simm.s32 $0x80;
	s2 =	rddreg [dreg:$0x15]  }
0x11: {  	[tilespmem:s24], [sflag:$0x2] =	stream.linear.gather [hbm4b:s2+s12], $0x80, $0x38;
	[tilespmem:$0x8180] =	vst v63  }
0x12: {  	_ =	swait.ge [sflag:s3], $0x80  }
0x13: {  	[sflag:s3] =	ssyncset.done $0x0  }
0x14: {  	[sflag:s3] =	ssyncadd.s32 $0xFFFFFF80  }
0x15: {  	_ =	swait.ge [sflag:s4], $0x80  }
0x16: {  	[sflag:s4] =	ssyncset.done $0x0  }
0x17: {  	[sflag:s4] =	ssyncadd.s32 $0xFFFFFF80  }
0x18: {  	v0 =	vld [tilespmem:s12+$0x0];
	_ =	sdelay $0x1  }
0x19: {  	v1 =	vld [tilespmem:s24+$0x0];
	_ =	sdelay $0x2  }
0x1a: {  	v0 =	vshll.u32 v0, $0x4  }
0x1b: {  	(v2sf) =	vpush v0, $0x0  }
0x1c: {  	v1 =	vshll.u32 v1, $0x4  }
0x1d: {  	(v2sf) =	vpush v1, $0x0  }
0x1e: {  	(v2sf) =	vpush v0, $0x1;
	_ =	sdelay $0x1  }
0x1f: {  	(v2sf) =	vpush v1, $0x1;
	_ =	sdelay $0x1  }
0x20: {  	(v2sf) =	vpush v0, $0x2;
	_ =	sdelay $0x1  }
0x21: {  	(v2sf) =	vpush v1, $0x2;
	_ =	sdelay $0x1  }
0x22: {  	s16 =	simm.s32 $0x2000;
	s15 =	simm.s32 $0x0;
	(v2sf) =	vpush v0, $0x3  }
0x23: {  	s25 =	simm.s32 $0x4100;
	s5 =	simm.s32 $0x380;
	s6 =	simm.s32 $0x100  }
0x24: {  	s7 =	simm.s32 $0x300;
	s9 =	simm.s32 $0x280;
	s10 =	simm.s32 $0x4280  }
0x25: {  	s13 =	simm.s32 $0x4700;
	s30 =	simm.s32 $0x180;
	s17 =	simm.s32 $0x200  }
0x26: {  	s20 =	simm.s32 $0x4200;
	s23 =	simm.s32 $0x4300;
	s8 =	spop (v2sf);
	(v2sf) =	vpush v1, $0x3  }
0x27: {  	s0 =	simm.s32 $0x4600;
	s2 =	simm.s32 $0x580;
	s8 =	sand.u32 $0x1FFFFFF0, s8  }
0x28: {  	s4 =	simm.s32 $0x4680;
	s11 =	spop (v2sf);
	s8 =	sadd.s32 s1, s8  }
0x29: {  	(v2sf) =	vpush v0, $0x4;
	s26 =	sand.u32 $0x1FFFFFF0, s11;
	s28 =	spop (v2sf);
	s11 =	simm.s32 $0x4180  }
0x2a: {  	(v2sf) =	vpush v1, $0x4;
	[tilespmem:s6], [sflag:$0x1] =	stream.linear.gather [hbm4b:s8+s12], $0x80, $0x38;
	[tilespmem:$0x8180] =	vst v63  }
0x2b: {  	s6 =	sadd.s32 s1, s26;
	s8 =	sand.u32 $0x1FFFFFF0, s28;
	s29 =	spop (v2sf)  }
0x2c: {  	(v2sf) =	vpush v0, $0x5;
	[tilespmem:s25], [sflag:$0x2] =	stream.linear.gather [hbm4b:s6+s12], $0x80, $0x38;
	[tilespmem:$0x8180] =	vst v63  }
0x2d: {  	s31 =	sadd.s32 s1, s8;
	s3 =	sand.u32 $0x1FFFFFF0, s29;
	s14 =	spop (v2sf)  }
0x2e: {  	(v2sf) =	vpush v1, $0x5;
	[tilespmem:s30], [sflag:$0x1] =	stream.linear.gather [hbm4b:s31+s12], $0x80, $0x38;
	[tilespmem:$0x8180] =	vst v63  }
0x2f: {  	s8 =	sadd.s32 s1, s3;
	s6 =	sand.u32 $0x1FFFFFF0, s14;
	s18 =	spop (v2sf)  }
0x30: {  	(v2sf) =	vpush v0, $0x6;
	[tilespmem:s11], [sflag:$0x2] =	stream.linear.gather [hbm4b:s8+s12], $0x80, $0x38;
	[tilespmem:$0x8180] =	vst v63  }
0x31: {  	s6 =	sadd.s32 s1, s6;
	s19 =	spop (v2sf);
	s8 =	sand.u32 $0x1FFFFFF0, s18  }
0x32: {  	(v2sf) =	vpush v1, $0x6;
	[tilespmem:s17], [sflag:$0x1] =	stream.linear.gather [hbm4b:s6+s12], $0x80, $0x38;
	[tilespmem:$0x8180] =	vst v63  }
0x33: {  	s28 =	simm.s32 $0x4380;
	s22 =	sand.u32 $0x1FFFFFF0, s19;
	s21 =	sadd.s32 s1, s8  }
0x34: {  	[tilespmem:s20], [sflag:$0x2] =	stream.linear.gather [hbm4b:s21+s12], $0x80, $0x38;
	[tilespmem:$0x8180] =	vst v63  }
0x35: {  	s29 =	simm.s32 $0x400;
	s8 =	sadd.s32 s1, s22;
	s24 =	spop (v2sf)  }
0x36: {  	(v2sf) =	vpush v0, $0x7;
	[tilespmem:s9], [sflag:$0x1] =	stream.linear.gather [hbm4b:s8+s12], $0x80, $0x38;
	[tilespmem:$0x8180] =	vst v63  }
0x37: {  	s14 =	simm.s32 $0x4780;
	s11 =	simm.s32 $0x780;
	s6 =	sand.u32 $0x1FFFFFF0, s24  }
0x38: {  	s20 =	simm.s32 $0x480;
	(v2sf) =	vpush v1, $0x7;
	s25 =	spop (v2sf);
	s6 =	sadd.s32 s1, s6  }
0x39: {  	s8 =	sand.u32 $0x1FFFFFF0, s25;
	s26 =	spop (v2sf);
	s25 =	simm.s32 $0x500  }
0x3a: {  	[tilespmem:s10], [sflag:$0x2] =	stream.linear.gather [hbm4b:s6+s12], $0x80, $0x38;
	[tilespmem:$0x8180] =	vst v63  }
0x3b: {  	(v2sf) =	vpush v0, $0x8;
	s8 =	sadd.s32 s1, s8;
	s9 =	sand.u32 $0x1FFFFFF0, s26;
	s30 =	spop (v2sf)  }
0x3c: {  	(v2sf) =	vpush v1, $0x8;
	[tilespmem:s7], [sflag:$0x1] =	stream.linear.gather [hbm4b:s8+s12], $0x80, $0x38;
	[tilespmem:$0x8180] =	vst v63  }
0x3d: {  	s9 =	sadd.s32 s1, s9;
	s31 =	spop (v2sf);
	s8 =	sand.u32 $0x1FFFFFF0, s30  }
0x3e: {  	(v2sf) =	vpush v0, $0x9;
	[tilespmem:s23], [sflag:$0x2] =	stream.linear.gather [hbm4b:s9+s12], $0x80, $0x38;
	[tilespmem:$0x8180] =	vst v63  }
0x3f: {  	s3 =	spop (v2sf);
	(v2sf) =	vpush v1, $0x9;
	s8 =	sadd.s32 s1, s8;
	s9 =	sand.u32 $0x1FFFFFF0, s31  }
0x40: {  	[tilespmem:s5], [sflag:$0x1] =	stream.linear.gather [hbm4b:s8+s12], $0x80, $0x38;
	[tilespmem:$0x8180] =	vst v63  }
0x41: {  	s17 =	spop (v2sf);
	(v2sf) =	vpush v0, $0xA;
	s8 =	sadd.s32 s1, s9;
	s9 =	sand.u32 $0x1FFFFFF0, s3  }
0x42: {  	[tilespmem:s28], [sflag:$0x2] =	stream.linear.gather [hbm4b:s8+s12], $0x80, $0x38;
	[tilespmem:$0x8180] =	vst v63  }
0x43: {  	s10 =	simm.s32 $0x4400;
	(v2sf) =	vpush v1, $0xA;
	s6 =	sand.u32 $0x1FFFFFF0, s17;
	s8 =	sadd.s32 s1, s9  }
0x44: {  	[tilespmem:s29], [sflag:$0x1] =	stream.linear.gather [hbm4b:s8+s12], $0x80, $0x38;
	[tilespmem:$0x8180] =	vst v63  }
0x45: {  	s7 =	simm.s32 $0x4580;
	s6 =	sadd.s32 s1, s6;
	s18 =	spop (v2sf)  }
0x46: {  	[tilespmem:s10], [sflag:$0x2] =	stream.linear.gather [hbm4b:s6+s12], $0x80, $0x38;
	[tilespmem:$0x8180] =	vst v63  }
0x47: {  	s23 =	simm.s32 $0x4480;
	(v2sf) =	vpush v0, $0xB;
	s8 =	sand.u32 $0x1FFFFFF0, s18;
	s19 =	spop (v2sf)  }
0x48: {  	s3 =	simm.s32 $0x600;
	s21 =	sadd.s32 s1, s8;
	s22 =	sand.u32 $0x1FFFFFF0, s19  }
0x49: {  	(v2sf) =	vpush v1, $0xB;
	[tilespmem:s20], [sflag:$0x1] =	stream.linear.gather [hbm4b:s21+s12], $0x80, $0x38;
	[tilespmem:$0x8180] =	vst v63  }
0x4a: {  	s29 =	simm.s32 $0x4500;
	s24 =	spop (v2sf);
	s8 =	sadd.s32 s1, s22  }
0x4b: {  	s6 =	sand.u32 $0x1FFFFFF0, s24;
	s26 =	spop (v2sf);
	s24 =	simm.s32 $0x700  }
0x4c: {  	(v2sf) =	vpush v0, $0xC;
	[tilespmem:s23], [sflag:$0x2] =	stream.linear.gather [hbm4b:s8+s12], $0x80, $0x38;
	[tilespmem:$0x8180] =	vst v63  }
0x4d: {  	s6 =	sadd.s32 s1, s6;
	s28 =	spop (v2sf);
	s8 =	sand.u32 $0x1FFFFFF0, s26  }
0x4e: {  	(v2sf) =	vpush v1, $0xC;
	s31 =	sand.u32 $0x1FFFFFF0, s28;
	s9 =	spop (v2sf);
	s26 =	simm.s32 $0x680  }
0x4f: {  	[tilespmem:s25], [sflag:$0x1] =	stream.linear.gather [hbm4b:s6+s12], $0x80, $0x38;
	[tilespmem:$0x8180] =	vst v63  }
0x50: {  	s30 =	sadd.s32 s1, s8;
	s8 =	sadd.s32 s1, s31;
	s17 =	spop (v2sf)  }
0x51: {  	[tilespmem:s29], [sflag:$0x2] =	stream.linear.gather [hbm4b:s30+s12], $0x80, $0x38;
	[tilespmem:$0x8180] =	vst v63  }
0x52: {  	s10 =	sand.u32 $0x1FFFFFF0, s9;
	s6 =	sand.u32 $0x1FFFFFF0, s17;
	s18 =	spop (v2sf)  }
0x53: {  	[tilespmem:s2], [sflag:$0x1] =	stream.linear.gather [hbm4b:s8+s12], $0x80, $0x38;
	[tilespmem:$0x8180] =	vst v63  }
0x54: {  	s19 =	sadd.s32 s1, s6;
	s20 =	sand.u32 $0x1FFFFFF0, s18;
	s2 =	sadd.s32 s1, s10  }
0x55: {  	[tilespmem:s7], [sflag:$0x2] =	stream.linear.gather [hbm4b:s2+s12], $0x80, $0x38;
	[tilespmem:$0x8180] =	vst v63  }
0x56: {  	s22 =	sadd.s32 s1, s20;
	s20 =	simm.s32 $0x0;
	s21 =	spop (v2sf)  }
0x57: {  	[tilespmem:s3], [sflag:$0x1] =	stream.linear.gather [hbm4b:s19+s12], $0x80, $0x38;
	[tilespmem:$0x8180] =	vst v63  }
0x58: {  	s23 =	sand.u32 $0x1FFFFFF0, s21;
	s25 =	spop (v2sf);
	s21 =	simm.s32 $0x10  }
0x59: {  	(v2sf) =	vpush v0, $0xD;
	[tilespmem:s0], [sflag:$0x2] =	stream.linear.gather [hbm4b:s22+s12], $0x80, $0x38;
	[tilespmem:$0x8180] =	vst v63  }
0x5a: {  	(v2sf) =	vpush v1, $0xD;
	s28 =	sadd.s32 s1, s23;
	s29 =	sand.u32 $0x1FFFFFF0, s25;
	s22 =	simm.s32 $0x90  }
0x5b: {  	(v2sf) =	vpush v0, $0xE;
	s25 =	simm.s32 $0x800;
	s23 =	simm.s32 $0x4800;
	s31 =	spop (v2sf)  }
0x5c: {  	(v2sf) =	vpush v1, $0xE;
	[tilespmem:s26], [sflag:$0x1] =	stream.linear.gather [hbm4b:s28+s12], $0x80, $0x38;
	[tilespmem:$0x8180] =	vst v63  }
0x5d: {  	s30 =	sadd.s32 s1, s29;
	(v2sf) =	vpush v0, $0xF;
	s0 =	sand.u32 $0x1FFFFFF0, s31;
	s2 =	spop (v2sf)  }
0x5e: {  	(v2sf) =	vpush v1, $0xF;
	[tilespmem:s4], [sflag:$0x2] =	stream.linear.gather [hbm4b:s30+s12], $0x80, $0x38;
	[tilespmem:$0x8180] =	vst v63  }
.LBB2_2:
0x5f: {  	_ =	sdelay $0x4  }
0x60: {  	s0 =	sadd.s32 s1, s0;
	s2 =	sand.u32 $0x1FFFFFF0, s2  }
0x61: {  	[tilespmem:s24], [sflag:$0x1] =	stream.linear.gather [hbm4b:s0+s20], $0x80, $0x38;
	[tilespmem:$0x8180] =	vst v63  }
0x62: {  	s26 =	sadd.s32 s1, s2  }
0x63: {  	[tilespmem:s13], [sflag:$0x2] =	stream.linear.gather [hbm4b:s26+s20], $0x80, $0x38;
	[tilespmem:$0x8180] =	vst v63  }
0x64: {  	s4 =	spop (v2sf)  }
0x65: {  	s28 =	sand.u32 $0x1FFFFFF0, s4;
	s29 =	spop (v2sf)  }
0x66: {  	s30 =	sadd.s32 s1, s28;
	s31 =	sand.u32 $0x1FFFFFF0, s29;
	s3 =	spop (v2sf)  }
0x67: {  	[tilespmem:s11], [sflag:$0x1] =	stream.linear.gather [hbm4b:s30+s20], $0x80, $0x38;
	[tilespmem:$0x8180] =	vst v63  }
0x68: {  	s5 =	sadd.s32 s1, s31;
	s6 =	sand.u32 $0x1FFFFFF0, s3;
	s7 =	spop (v2sf)  }
0x69: {  	[tilespmem:s14], [sflag:$0x2] =	stream.linear.gather [hbm4b:s5+s20], $0x80, $0x38;
	[tilespmem:$0x8180] =	vst v63  }
0x6a: {  	s8 =	sadd.s32 s1, s6;
	s9 =	sand.u32 $0x1FFFFFF0, s7;
	s10 =	spop (v2sf)  }
0x6b: {  	[tilespmem:s25], [sflag:$0x1] =	stream.linear.gather [hbm4b:s8+s20], $0x80, $0x38;
	[tilespmem:$0x8180] =	vst v63  }
0x6c: {  	s11 =	sadd.s32 s1, s9;
	s12 =	sand.u32 $0x1FFFFFF0, s10;
	s13 =	spop (v2sf)  }
0x6d: {  	[tilespmem:s23], [sflag:$0x2] =	stream.linear.gather [hbm4b:s11+s20], $0x80, $0x38;
	[tilespmem:$0x8180] =	vst v63  }
0x6e: {  	s14 =	sadd.s32 $0x880, s15;
	s2 =	sadd.s32 s1, s12;
	s4 =	sand.u32 $0x1FFFFFF0, s13  }
0x6f: {  	[tilespmem:s14], [sflag:$0x1] =	stream.linear.gather [hbm4b:s2+s20], $0x80, $0x38;
	[tilespmem:$0x8180] =	vst v63  }
0x70: {  	s15 =	sadd.s32 $0x4880, s15;
	s17 =	sadd.s32 s1, s4  }
0x71: {  	[tilespmem:s15], [sflag:$0x2] =	stream.linear.gather [hbm4b:s17+s20], $0x80, $0x38;
	[tilespmem:$0x8180] =	vst v63  }
0x72: {  	v0 =	vld [tilespmem:s21+$0x0]  }
0x73: {  	v2 =	vld [tilespmem:s22+$0x0];
	_ =	sdelay $0x3  }
0x74: {  	v1 =	vshll.u32 v0, $0x4  }
0x75: {  	v63 =	vshll.u32 v2, $0x4;
	(v2sf) =	vpush v1, $0x0  }
0x76: {  	p0 =	sne.s32 s16, $0x6000;
	s18 =	smov.u32 s16;
	(v2sf) =	vpush v63, $0x0  }
0x77: {  	s16 =	sadd.s32 $0x2000, s16;
	s15 =	sshra.s32 s18, $0x2;
	s20 =	simm.s32 $0x0;
	(v2sf) =	vpush v1, $0x1  }
0x78: {  	s28 =	sadd.s32 $0x4100, s15;
	s0 =	sadd.s32 $0x380, s15;
	s19 =	sadd.s32 $0x580, s15  }
0x79: {  	s4 =	sadd.s32 $0x300, s15;
	s23 =	sadd.s32 $0x4600, s15;
	s14 =	sadd.s32 $0x280, s15;
	(v2sf) =	vpush v63, $0x1  }
0x7a: {  	s9 =	sadd.s32 $0x4280, s15;
	s13 =	sadd.s32 $0x4700, s15;
	s26 =	sadd.s32 $0x200, s15  }
0x7b: {  	s8 =	sadd.s32 $0x4300, s15;
	s5 =	sadd.s32 $0x780, s15;
	s29 =	sadd.s32 $0x4180, s15;
	(v2sf) =	vpush v1, $0x2  }
0x7c: {  	s17 =	sadd.s32 $0x4200, s15;
	s11 =	sadd.s32 $0x4380, s15;
	s10 =	sadd.s32 $0x400, s15  }
0x7d: {  	s24 =	sadd.s32 $0x4680, s15;
	s2 =	sadd.s32 $0x4780, s15;
	[dreg:$0x13] =	wrdreg s0;
	(v2sf) =	vpush v63, $0x2  }
0x7e: {  	s7 =	sadd.s32 $0x4400, s15;
	s3 =	sadd.s32 $0x4580, s15;
	[dreg:$0x8] =	wrdreg s19  }
0x7f: {  	s25 =	sadd.s32 $0x600, s15;
	s6 =	sadd.s32 $0x480, s15;
	[dreg:$0x4] =	wrdreg s23;
	(v2sf) =	vpush v1, $0x3  }
0x80: {  	s30 =	sadd.s32 $0x4500, s15;
	s18 =	sadd.s32 $0x180, s15;
	[dreg:$0x6] =	wrdreg s24  }
0x81: {  	s12 =	sadd.s32 $0x4480, s15;
	s31 =	sadd.s32 $0x500, s15;
	[dreg:$0xc] =	wrdreg s3;
	(v2sf) =	vpush v63, $0x3  }
0x82: {  	s21 =	sadd.s32 $0x10, s21;
	s22 =	sadd.s32 $0x10, s22;
	[dreg:$0xa] =	wrdreg s25  }
0x83: {  	s0 =	sadd.s32 $0x100, s15;
	[dreg:$0xe] =	wrdreg s30;
	s24 =	sadd.s32 $0x700, s15;
	(v2sf) =	vpush v1, $0x4  }
0x84: {  	[dreg:$0x11] =	wrdreg s31;
	s25 =	sadd.s32 $0x800, s15;
	s30 =	spop (v2sf)  }
0x85: {  	s23 =	sadd.s32 $0x4800, s15;
	s31 =	sand.u32 $0x1FFFFFF0, s30;
	s19 =	spop (v2sf);
	(v2sf) =	vpush v63, $0x4  }
0x86: {  	s31 =	sadd.s32 s1, s31;
	s19 =	sand.u32 $0x1FFFFFF0, s19;
	s3 =	spop (v2sf)  }
0x87: {  	[tilespmem:s0], [sflag:$0x1] =	stream.linear.gather [hbm4b:s31+s20], $0x80, $0x38;
	[tilespmem:$0x8180] =	vst v63  }
0x88: {  	(v2sf) =	vpush v1, $0x5;
	s19 =	sadd.s32 s1, s19;
	s3 =	sand.u32 $0x1FFFFFF0, s3;
	s31 =	spop (v2sf)  }
0x89: {  	(v2sf) =	vpush v63, $0x5;
	[tilespmem:s28], [sflag:$0x2] =	stream.linear.gather [hbm4b:s19+s20], $0x80, $0x38;
	[tilespmem:$0x8180] =	vst v63  }
0x8a: {  	s3 =	sadd.s32 s1, s3;
	s28 =	sand.u32 $0x1FFFFFF0, s31;
	s31 =	spop (v2sf)  }
0x8b: {  	(v2sf) =	vpush v1, $0x6;
	[tilespmem:s18], [sflag:$0x1] =	stream.linear.gather [hbm4b:s3+s20], $0x80, $0x38;
	[tilespmem:$0x8180] =	vst v63  }
0x8c: {  	s18 =	sadd.s32 s1, s28;
	s28 =	sand.u32 $0x1FFFFFF0, s31;
	s31 =	spop (v2sf)  }
0x8d: {  	(v2sf) =	vpush v63, $0x6;
	[tilespmem:s29], [sflag:$0x2] =	stream.linear.gather [hbm4b:s18+s20], $0x80, $0x38;
	[tilespmem:$0x8180] =	vst v63  }
0x8e: {  	s3 =	sadd.s32 s1, s28;
	s19 =	spop (v2sf);
	s18 =	sand.u32 $0x1FFFFFF0, s31  }
0x8f: {  	(v2sf) =	vpush v1, $0x7;
	[tilespmem:s26], [sflag:$0x1] =	stream.linear.gather [hbm4b:s3+s20], $0x80, $0x38;
	[tilespmem:$0x8180] =	vst v63  }
0x90: {  	s29 =	sand.u32 $0x1FFFFFF0, s19;
	s31 =	spop (v2sf);
	s28 =	sadd.s32 s1, s18  }
0x91: {  	(v2sf) =	vpush v63, $0x7;
	[tilespmem:s17], [sflag:$0x2] =	stream.linear.gather [hbm4b:s28+s20], $0x80, $0x38;
	[tilespmem:$0x8180] =	vst v63  }
0x92: {  	s18 =	spop (v2sf);
	s3 =	sadd.s32 s1, s29;
	s17 =	sand.u32 $0x1FFFFFF0, s31  }
0x93: {  	[tilespmem:s14], [sflag:$0x1] =	stream.linear.gather [hbm4b:s3+s20], $0x80, $0x38;
	[tilespmem:$0x8180] =	vst v63  }
0x94: {  	s26 =	sand.u32 $0x1FFFFFF0, s18;
	s19 =	sadd.s32 s1, s17;
	s28 =	spop (v2sf)  }
0x95: {  	(v2sf) =	vpush v1, $0x8;
	[tilespmem:s9], [sflag:$0x2] =	stream.linear.gather [hbm4b:s19+s20], $0x80, $0x38;
	[tilespmem:$0x8180] =	vst v63  }
0x96: {  	s30 =	sadd.s32 $0x680, s15;
	s29 =	sadd.s32 s1, s26;
	s31 =	sand.u32 $0x1FFFFFF0, s28  }
0x97: {  	s14 =	smov.u32 s2;
	(v2sf) =	vpush v63, $0x8;
	s2 =	spop (v2sf);
	s17 =	sadd.s32 s1, s31  }
0x98: {  	(v2sf) =	vpush v1, $0x9;
	s18 =	sand.u32 $0x1FFFFFF0, s2;
	s19 =	spop (v2sf);
	s31 =	rddreg [dreg:$0x13]  }
0x99: {  	[tilespmem:s4], [sflag:$0x1] =	stream.linear.gather [hbm4b:s29+s20], $0x80, $0x38;
	[tilespmem:$0x8180] =	vst v63  }
0x9a: {  	(v2sf) =	vpush v63, $0x9;
	s26 =	sadd.s32 s1, s18;
	s28 =	sand.u32 $0x1FFFFFF0, s19;
	s29 =	spop (v2sf)  }
0x9b: {  	[tilespmem:s8], [sflag:$0x2] =	stream.linear.gather [hbm4b:s17+s20], $0x80, $0x38;
	[tilespmem:$0x8180] =	vst v63  }
0x9c: {  	s3 =	sadd.s32 s1, s28;
	s4 =	sand.u32 $0x1FFFFFF0, s29;
	s8 =	spop (v2sf)  }
0x9d: {  	[tilespmem:s31], [sflag:$0x1] =	stream.linear.gather [hbm4b:s26+s20], $0x80, $0x38;
	[tilespmem:$0x8180] =	vst v63  }
0x9e: {  	(v2sf) =	vpush v1, $0xA;
	s9 =	sadd.s32 s1, s4;
	s17 =	sand.u32 $0x1FFFFFF0, s8;
	s18 =	spop (v2sf)  }
0x9f: {  	[tilespmem:s11], [sflag:$0x2] =	stream.linear.gather [hbm4b:s3+s20], $0x80, $0x38;
	[tilespmem:$0x8180] =	vst v63  }
0xa0: {  	(v2sf) =	vpush v63, $0xA;
	s19 =	sadd.s32 s1, s17;
	s26 =	sand.u32 $0x1FFFFFF0, s18;
	s28 =	spop (v2sf)  }
0xa1: {  	[tilespmem:s10], [sflag:$0x1] =	stream.linear.gather [hbm4b:s9+s20], $0x80, $0x38;
	[tilespmem:$0x8180] =	vst v63  }
0xa2: {  	(v2sf) =	vpush v1, $0xB;
	s11 =	smov.u32 s5;
	s29 =	sadd.s32 s1, s26;
	s31 =	sand.u32 $0x1FFFFFF0, s28  }
0xa3: {  	[tilespmem:s7], [sflag:$0x2] =	stream.linear.gather [hbm4b:s19+s20], $0x80, $0x38;
	[tilespmem:$0x8180] =	vst v63  }
0xa4: {  	(v2sf) =	vpush v63, $0xB;
	s2 =	spop (v2sf);
	s3 =	sadd.s32 s1, s31;
	s31 =	rddreg [dreg:$0x8]  }
0xa5: {  	[tilespmem:s6], [sflag:$0x1] =	stream.linear.gather [hbm4b:s29+s20], $0x80, $0x38;
	[tilespmem:$0x8180] =	vst v63  }
0xa6: {  	s5 =	sand.u32 $0x1FFFFFF0, s2;
	s10 =	rddreg [dreg:$0x11];
	s6 =	spop (v2sf)  }
0xa7: {  	(v2sf) =	vpush v1, $0xC;
	s7 =	sadd.s32 s1, s5;
	s19 =	rddreg [dreg:$0xe];
	s9 =	spop (v2sf)  }
0xa8: {  	[tilespmem:s12], [sflag:$0x2] =	stream.linear.gather [hbm4b:s3+s20], $0x80, $0x38;
	[tilespmem:$0x8180] =	vst v63  }
0xa9: {  	(v2sf) =	vpush v63, $0xC;
	s8 =	sand.u32 $0x1FFFFFF0, s6;
	s6 =	rddreg [dreg:$0xc];
	s18 =	spop (v2sf)  }
0xaa: {  	[tilespmem:s10], [sflag:$0x1] =	stream.linear.gather [hbm4b:s7+s20], $0x80, $0x38;
	[tilespmem:$0x8180] =	vst v63  }
0xab: {  	s12 =	sadd.s32 s1, s8;
	s17 =	sand.u32 $0x1FFFFFF0, s9;
	s28 =	sand.u32 $0x1FFFFFF0, s18  }
0xac: {  	[tilespmem:s19], [sflag:$0x2] =	stream.linear.gather [hbm4b:s12+s20], $0x80, $0x38;
	[tilespmem:$0x8180] =	vst v63  }
0xad: {  	s26 =	sadd.s32 s1, s17;
	s29 =	spop (v2sf);
	s2 =	sadd.s32 s1, s28  }
0xae: {  	[tilespmem:s31], [sflag:$0x1] =	stream.linear.gather [hbm4b:s26+s20], $0x80, $0x38;
	[tilespmem:$0x8180] =	vst v63  }
0xaf: {  	s10 =	rddreg [dreg:$0xa];
	s3 =	sand.u32 $0x1FFFFFF0, s29;
	s5 =	spop (v2sf)  }
0xb0: {  	[tilespmem:s6], [sflag:$0x2] =	stream.linear.gather [hbm4b:s2+s20], $0x80, $0x38;
	[tilespmem:$0x8180] =	vst v63  }
0xb1: {  	s7 =	sadd.s32 s1, s3;
	s8 =	sand.u32 $0x1FFFFFF0, s5;
	s9 =	spop (v2sf)  }
0xb2: {  	[tilespmem:s10], [sflag:$0x1] =	stream.linear.gather [hbm4b:s7+s20], $0x80, $0x38;
	[tilespmem:$0x8180] =	vst v63  }
0xb3: {  	s19 =	rddreg [dreg:$0x4];
	s12 =	sadd.s32 s1, s8;
	s18 =	spop (v2sf)  }
0xb4: {  	(v2sf) =	vpush v1, $0xD;
	[tilespmem:s19], [sflag:$0x2] =	stream.linear.gather [hbm4b:s12+s20], $0x80, $0x38;
	[tilespmem:$0x8180] =	vst v63  }
.Ltmp0:
0xb5: {  	(v2sf) =	vpush v63, $0xD;
	s17 =	sand.u32 $0x1FFFFFF0, s9;
	s31 =	rddreg [dreg:$0x6];
	(pc) =	sbr.rel @p0 .LBB2_2-.Ltmp0, $4  }
0xb6: {  	(v2sf) =	vpush v1, $0xE;
	s26 =	sadd.s32 s1, s17;
	s28 =	sand.u32 $0x1FFFFFF0, s18;
	s29 =	spop (v2sf)  }
0xb7: {  	(v2sf) =	vpush v63, $0xE;
	[tilespmem:s30], [sflag:$0x1] =	stream.linear.gather [hbm4b:s26+s20], $0x80, $0x38;
	[tilespmem:$0x8180] =	vst v63  }
0xb8: {  	(v2sf) =	vpush v1, $0xF;
	s0 =	sand.u32 $0x1FFFFFF0, s29;
	s2 =	spop (v2sf);
	s30 =	sadd.s32 s1, s28  }
0xb9: {  	(v2sf) =	vpush v63, $0xF;
	[tilespmem:s31], [sflag:$0x2] =	stream.linear.gather [hbm4b:s30+s20], $0x80, $0x38;
	[tilespmem:$0x8180] =	vst v63  }
0xba: {  	_ =	sdelay $0x4  }
0xbb: {  	s0 =	sadd.s32 s1, s0;
	s2 =	sand.u32 $0x1FFFFFF0, s2  }
0xbc: {  	[tilespmem:s24], [sflag:$0x1] =	stream.linear.gather [hbm4b:s0+s20], $0x80, $0x38;
	[tilespmem:$0x8180] =	vst v63  }
0xbd: {  	s2 =	sadd.s32 s1, s2  }
0xbe: {  	[tilespmem:s13], [sflag:$0x2] =	stream.linear.gather [hbm4b:s2+s20], $0x80, $0x38;
	[tilespmem:$0x8180] =	vst v63  }
0xbf: {  	s3 =	spop (v2sf)  }
0xc0: {  	s4 =	sand.u32 $0x1FFFFFF0, s3;
	s5 =	spop (v2sf)  }
0xc1: {  	s6 =	sadd.s32 s1, s4;
	s7 =	sand.u32 $0x1FFFFFF0, s5;
	s8 =	spop (v2sf)  }
0xc2: {  	[tilespmem:s11], [sflag:$0x1] =	stream.linear.gather [hbm4b:s6+s20], $0x80, $0x38;
	[tilespmem:$0x8180] =	vst v63  }
0xc3: {  	s9 =	sadd.s32 s1, s7;
	s10 =	sand.u32 $0x1FFFFFF0, s8;
	s11 =	spop (v2sf)  }
0xc4: {  	[tilespmem:s14], [sflag:$0x2] =	stream.linear.gather [hbm4b:s9+s20], $0x80, $0x38;
	[tilespmem:$0x8180] =	vst v63  }
0xc5: {  	s12 =	sadd.s32 s1, s10;
	s13 =	sand.u32 $0x1FFFFFF0, s11;
	s14 =	spop (v2sf)  }
0xc6: {  	[tilespmem:s25], [sflag:$0x1] =	stream.linear.gather [hbm4b:s12+s20], $0x80, $0x38;
	[tilespmem:$0x8180] =	vst v63  }
0xc7: {  	s16 =	sadd.s32 s1, s13;
	s17 =	sand.u32 $0x1FFFFFF0, s14;
	s18 =	spop (v2sf)  }
0xc8: {  	[tilespmem:s23], [sflag:$0x2] =	stream.linear.gather [hbm4b:s16+s20], $0x80, $0x38;
	[tilespmem:$0x8180] =	vst v63  }
0xc9: {  	s19 =	sadd.s32 $0x880, s15;
	s2 =	sadd.s32 s1, s17;
	s3 =	sand.u32 $0x1FFFFFF0, s18  }
0xca: {  	[tilespmem:s19], [sflag:$0x1] =	stream.linear.gather [hbm4b:s2+s20], $0x80, $0x38;
	[tilespmem:$0x8180] =	vst v63  }
0xcb: {  	s21 =	sadd.s32 $0x4880, s15;
	s22 =	sadd.s32 s1, s3;
	s23 =	simm.s32 $0x40  }
0xcc: {  	[tilespmem:s21], [sflag:$0x2] =	stream.linear.gather [hbm4b:s22+s20], $0x80, $0x38;
	[tilespmem:$0x8180] =	vst v63  }
0xcd: {  	s24 =	simm.s32 $0xC0;
	v0 =	vld [tilespmem:s23+$0x0]  }
0xce: {  	v2 =	vld [tilespmem:s24+$0x0];
	_ =	sdelay $0x3  }
0xcf: {  	v1 =	vshll.u32 v0, $0x4  }
0xd0: {  	v63 =	vshll.u32 v2, $0x4;
	(v2sf) =	vpush v1, $0x0  }
0xd1: {  	(v2sf) =	vpush v63, $0x0  }
0xd2: {  	(v2sf) =	vpush v1, $0x1;
	_ =	sdelay $0x1  }
0xd3: {  	(v2sf) =	vpush v63, $0x1;
	_ =	sdelay $0x2  }
0xd4: {  	(v2sf) =	vpush v1, $0x2;
	_ =	sdelay $0x1  }
0xd5: {  	(v2sf) =	vpush v63, $0x2;
	_ =	sdelay $0x1  }
0xd6: {  	s15 =	simm.s32 $0x0;
	s29 =	simm.s32 $0x2180;
	(v2sf) =	vpush v1, $0x3  }
0xd7: {  	s0 =	simm.s32 $0x6600;
	s4 =	simm.s32 $0x2380;
	s5 =	simm.s32 $0x2100  }
0xd8: {  	s7 =	simm.s32 $0x2300;
	s8 =	simm.s32 $0x2280;
	s13 =	simm.s32 $0x2200  }
0xd9: {  	s25 =	simm.s32 $0x6100;
	s12 =	simm.s32 $0x0;
	s18 =	simm.s32 $0x6200  }
0xda: {  	s16 =	simm.s32 $0x2000;
	s2 =	simm.s32 $0x2580;
	(v2sf) =	vpush v63, $0x3;
	s6 =	spop (v2sf)  }
0xdb: {  	s23 =	simm.s32 $0x6300;
	s6 =	sand.u32 $0x1FFFFFF0, s6;
	s9 =	spop (v2sf)  }
0xdc: {  	(v2sf) =	vpush v1, $0x4;
	s6 =	sadd.s32 s1, s6;
	s26 =	sand.u32 $0x1FFFFFF0, s9;
	s28 =	spop (v2sf)  }
0xdd: {  	(v2sf) =	vpush v63, $0x4;
	[tilespmem:s5], [sflag:$0x3] =	stream.linear.gather [hbm4b:s6+s12], $0x80, $0x38;
	[tilespmem:$0x8180] =	vst v63  }
0xde: {  	s5 =	simm.s32 $0x6280;
	s9 =	sand.u32 $0x1FFFFFF0, s28;
	s10 =	spop (v2sf)  }
0xdf: {  	s6 =	sadd.s32 s1, s26;
	(v2sf) =	vpush v1, $0x5;
	s30 =	sadd.s32 s1, s9;
	s31 =	sand.u32 $0x1FFFFFF0, s10  }
0xe0: {  	[tilespmem:s25], [sflag:$0x4] =	stream.linear.gather [hbm4b:s6+s12], $0x80, $0x38;
	[tilespmem:$0x8180] =	vst v63  }
0xe1: {  	s10 =	simm.s32 $0x6180;
	s11 =	spop (v2sf);
	s9 =	sadd.s32 s1, s31  }
0xe2: {  	(v2sf) =	vpush v63, $0x5;
	[tilespmem:s29], [sflag:$0x3] =	stream.linear.gather [hbm4b:s30+s12], $0x80, $0x38;
	[tilespmem:$0x8180] =	vst v63  }
0xe3: {  	(v2sf) =	vpush v1, $0x6;
	s6 =	sand.u32 $0x1FFFFFF0, s11;
	s14 =	spop (v2sf);
	s11 =	simm.s32 $0x2780  }
0xe4: {  	[tilespmem:s10], [sflag:$0x4] =	stream.linear.gather [hbm4b:s9+s12], $0x80, $0x38;
	[tilespmem:$0x8180] =	vst v63  }
0xe5: {  	s6 =	sadd.s32 s1, s6;
	s17 =	spop (v2sf);
	(v2sf) =	vpush v63, $0x6;
	s9 =	sand.u32 $0x1FFFFFF0, s14  }
0xe6: {  	[tilespmem:s13], [sflag:$0x3] =	stream.linear.gather [hbm4b:s6+s12], $0x80, $0x38;
	[tilespmem:$0x8180] =	vst v63  }
0xe7: {  	s31 =	simm.s32 $0x2400;
	s20 =	sand.u32 $0x1FFFFFF0, s17;
	s19 =	sadd.s32 s1, s9  }
0xe8: {  	[tilespmem:s18], [sflag:$0x4] =	stream.linear.gather [hbm4b:s19+s12], $0x80, $0x38;
	[tilespmem:$0x8180] =	vst v63  }
0xe9: {  	s21 =	spop (v2sf);
	(v2sf) =	vpush v1, $0x7;
	s29 =	simm.s32 $0x6380;
	s22 =	sadd.s32 s1, s20  }
0xea: {  	[tilespmem:s8], [sflag:$0x3] =	stream.linear.gather [hbm4b:s22+s12], $0x80, $0x38;
	[tilespmem:$0x8180] =	vst v63  }
0xeb: {  	(v2sf) =	vpush v63, $0x7;
	s3 =	sand.u32 $0x1FFFFFF0, s21;
	s20 =	simm.s32 $0x6400;
	s24 =	spop (v2sf)  }
0xec: {  	s3 =	sadd.s32 s1, s3;
	s8 =	sand.u32 $0x1FFFFFF0, s24;
	s25 =	spop (v2sf)  }
0xed: {  	(v2sf) =	vpush v1, $0x8;
	[tilespmem:s5], [sflag:$0x4] =	stream.linear.gather [hbm4b:s3+s12], $0x80, $0x38;
	[tilespmem:$0x8180] =	vst v63  }
0xee: {  	s26 =	sadd.s32 s1, s8;
	s28 =	sand.u32 $0x1FFFFFF0, s25;
	s30 =	spop (v2sf)  }
0xef: {  	(v2sf) =	vpush v63, $0x8;
	[tilespmem:s7], [sflag:$0x3] =	stream.linear.gather [hbm4b:s26+s12], $0x80, $0x38;
	[tilespmem:$0x8180] =	vst v63  }
0xf0: {  	s10 =	simm.s32 $0x6700;
	s5 =	sadd.s32 s1, s28;
	s8 =	sand.u32 $0x1FFFFFF0, s30  }
0xf1: {  	(v2sf) =	vpush v1, $0x9;
	s9 =	spop (v2sf);
	s26 =	simm.s32 $0x6480;
	s6 =	sadd.s32 s1, s8  }
0xf2: {  	(v2sf) =	vpush v63, $0x9;
	s7 =	sand.u32 $0x1FFFFFF0, s9;
	s13 =	spop (v2sf);
	s8 =	simm.s32 $0x6780  }
0xf3: {  	[tilespmem:s23], [sflag:$0x4] =	stream.linear.gather [hbm4b:s5+s12], $0x80, $0x38;
	[tilespmem:$0x8180] =	vst v63  }
0xf4: {  	(v2sf) =	vpush v1, $0xA;
	s14 =	sadd.s32 s1, s7;
	s17 =	sand.u32 $0x1FFFFFF0, s13;
	s18 =	spop (v2sf)  }
0xf5: {  	(v2sf) =	vpush v63, $0xA;
	[tilespmem:s4], [sflag:$0x3] =	stream.linear.gather [hbm4b:s6+s12], $0x80, $0x38;
	[tilespmem:$0x8180] =	vst v63  }
0xf6: {  	s23 =	simm.s32 $0x2480;
	s13 =	simm.s32 $0x6580;
	s19 =	sadd.s32 s1, s17  }
0xf7: {  	[tilespmem:s29], [sflag:$0x4] =	stream.linear.gather [hbm4b:s14+s12], $0x80, $0x38;
	[tilespmem:$0x8180] =	vst v63  }
0xf8: {  	s3 =	sand.u32 $0x1FFFFFF0, s18;
	s21 =	spop (v2sf);
	(v2sf) =	vpush v1, $0xB;
	s17 =	simm.s32 $0x2600  }
0xf9: {  	[tilespmem:s31], [sflag:$0x3] =	stream.linear.gather [hbm4b:s19+s12], $0x80, $0x38;
	[tilespmem:$0x8180] =	vst v63  }
0xfa: {  	s3 =	sadd.s32 s1, s3;
	s6 =	sand.u32 $0x1FFFFFF0, s21;
	s22 =	spop (v2sf);
	(v2sf) =	vpush v63, $0xB  }
0xfb: {  	[tilespmem:s20], [sflag:$0x4] =	stream.linear.gather [hbm4b:s3+s12], $0x80, $0x38;
	[tilespmem:$0x8180] =	vst v63  }
0xfc: {  	s24 =	sadd.s32 s1, s6;
	s25 =	sand.u32 $0x1FFFFFF0, s22;
	s28 =	spop (v2sf)  }
0xfd: {  	[tilespmem:s23], [sflag:$0x3] =	stream.linear.gather [hbm4b:s24+s12], $0x80, $0x38;
	[tilespmem:$0x8180] =	vst v63  }
0xfe: {  	s4 =	simm.s32 $0x6680;
	s6 =	sadd.s32 s1, s25;
	s30 =	spop (v2sf)  }
0xff: {  	[tilespmem:s26], [sflag:$0x4] =	stream.linear.gather [hbm4b:s6+s12], $0x80, $0x38;
	[tilespmem:$0x8180] =	vst v63  }
0x100: {  	s29 =	simm.s32 $0x2500;
	s5 =	sand.u32 $0x1FFFFFF0, s28;
	(v2sf) =	vpush v1, $0xC;
	s31 =	spop (v2sf)  }
0x101: {  	s5 =	sadd.s32 s1, s5;
	s6 =	sand.u32 $0x1FFFFFF0, s30;
	s14 =	spop (v2sf)  }
0x102: {  	(v2sf) =	vpush v63, $0xC;
	[tilespmem:s29], [sflag:$0x3] =	stream.linear.gather [hbm4b:s5+s12], $0x80, $0x38;
	[tilespmem:$0x8180] =	vst v63  }
0x103: {  	s26 =	simm.s32 $0x2680;
	s6 =	sadd.s32 s1, s6;
	s18 =	spop (v2sf)  }
0x104: {  	s9 =	sand.u32 $0x1FFFFFF0, s31;
	s5 =	simm.s32 $0x6500;
	s19 =	spop (v2sf)  }
0x105: {  	[tilespmem:s5], [sflag:$0x4] =	stream.linear.gather [hbm4b:s6+s12], $0x80, $0x38;
	[tilespmem:$0x8180] =	vst v63  }
0x106: {  	s6 =	sadd.s32 s1, s9;
	s5 =	sand.u32 $0x1FFFFFF0, s14;
	s21 =	sand.u32 $0x1FFFFFF0, s19  }
0x107: {  	s22 =	spop (v2sf);
	s5 =	sadd.s32 s1, s5;
	s23 =	sadd.s32 s1, s21  }
0x108: {  	[tilespmem:s2], [sflag:$0x3] =	stream.linear.gather [hbm4b:s6+s12], $0x80, $0x38;
	[tilespmem:$0x8180] =	vst v63  }
0x109: {  	s24 =	sand.u32 $0x1FFFFFF0, s22;
	s25 =	spop (v2sf);
	s6 =	sand.u32 $0x1FFFFFF0, s18  }
0x10a: {  	[tilespmem:s13], [sflag:$0x4] =	stream.linear.gather [hbm4b:s5+s12], $0x80, $0x38;
	[tilespmem:$0x8180] =	vst v63  }
0x10b: {  	s21 =	simm.s32 $0xD0;
	s22 =	simm.s32 $0x6800;
	s20 =	sadd.s32 s1, s6  }
0x10c: {  	[tilespmem:s17], [sflag:$0x3] =	stream.linear.gather [hbm4b:s20+s12], $0x80, $0x38;
	[tilespmem:$0x8180] =	vst v63  }
0x10d: {  	(v2sf) =	vpush v1, $0xD;
	s28 =	sadd.s32 s1, s24;
	s29 =	sand.u32 $0x1FFFFFF0, s25;
	s24 =	simm.s32 $0x2700  }
0x10e: {  	(v2sf) =	vpush v63, $0xD;
	[tilespmem:s0], [sflag:$0x4] =	stream.linear.gather [hbm4b:s23+s12], $0x80, $0x38;
	[tilespmem:$0x8180] =	vst v63  }
0x10f: {  	(v2sf) =	vpush v1, $0xE;
	s30 =	sadd.s32 s1, s29;
	s20 =	simm.s32 $0x50;
	s31 =	spop (v2sf)  }
0x110: {  	(v2sf) =	vpush v63, $0xE;
	[tilespmem:s26], [sflag:$0x3] =	stream.linear.gather [hbm4b:s28+s12], $0x80, $0x38;
	[tilespmem:$0x8180] =	vst v63  }
0x111: {  	(v2sf) =	vpush v1, $0xF;
	s23 =	simm.s32 $0x2800;
	s0 =	sand.u32 $0x1FFFFFF0, s31;
	s2 =	spop (v2sf)  }
0x112: {  	(v2sf) =	vpush v63, $0xF;
	[tilespmem:s4], [sflag:$0x4] =	stream.linear.gather [hbm4b:s30+s12], $0x80, $0x38;
	[tilespmem:$0x8180] =	vst v63  }
.LBB2_4:
0x113: {  	_ =	sdelay $0x4  }
0x114: {  	s0 =	sadd.s32 s1, s0;
	s2 =	sand.u32 $0x1FFFFFF0, s2  }
0x115: {  	[tilespmem:s24], [sflag:$0x3] =	stream.linear.gather [hbm4b:s0+s12], $0x80, $0x38;
	[tilespmem:$0x8180] =	vst v63  }
0x116: {  	s29 =	sadd.s32 s1, s2  }
0x117: {  	[tilespmem:s10], [sflag:$0x4] =	stream.linear.gather [hbm4b:s29+s12], $0x80, $0x38;
	[tilespmem:$0x8180] =	vst v63  }
0x118: {  	s3 =	spop (v2sf)  }
0x119: {  	s30 =	sand.u32 $0x1FFFFFF0, s3;
	s31 =	spop (v2sf)  }
0x11a: {  	s2 =	sadd.s32 s1, s30;
	s3 =	sand.u32 $0x1FFFFFF0, s31;
	s4 =	spop (v2sf)  }
0x11b: {  	[tilespmem:s11], [sflag:$0x3] =	stream.linear.gather [hbm4b:s2+s12], $0x80, $0x38;
	[tilespmem:$0x8180] =	vst v63  }
0x11c: {  	s5 =	sadd.s32 s1, s3;
	s6 =	sand.u32 $0x1FFFFFF0, s4;
	s7 =	spop (v2sf)  }
0x11d: {  	[tilespmem:s8], [sflag:$0x4] =	stream.linear.gather [hbm4b:s5+s12], $0x80, $0x38;
	[tilespmem:$0x8180] =	vst v63  }
0x11e: {  	s9 =	sand.u32 $0x1FFFFFF0, s7;
	s10 =	spop (v2sf);
	s8 =	sadd.s32 s1, s6  }
0x11f: {  	[tilespmem:s23], [sflag:$0x3] =	stream.linear.gather [hbm4b:s8+s12], $0x80, $0x38;
	[tilespmem:$0x8180] =	vst v63  }
0x120: {  	s11 =	sadd.s32 s1, s9;
	s13 =	sand.u32 $0x1FFFFFF0, s10;
	s14 =	spop (v2sf)  }
0x121: {  	[tilespmem:s22], [sflag:$0x4] =	stream.linear.gather [hbm4b:s11+s12], $0x80, $0x38;
	[tilespmem:$0x8180] =	vst v63  }
0x122: {  	s17 =	sadd.s32 $0x2880, s15;
	s2 =	sadd.s32 s1, s13;
	s3 =	sand.u32 $0x1FFFFFF0, s14  }
0x123: {  	[tilespmem:s17], [sflag:$0x3] =	stream.linear.gather [hbm4b:s2+s12], $0x80, $0x38;
	[tilespmem:$0x8180] =	vst v63  }
0x124: {  	s18 =	sadd.s32 $0x6880, s15;
	s19 =	sadd.s32 s1, s3  }
0x125: {  	[tilespmem:s18], [sflag:$0x4] =	stream.linear.gather [hbm4b:s19+s12], $0x80, $0x38;
	[tilespmem:$0x8180] =	vst v63  }
0x126: {  	v0 =	vld [tilespmem:s20+$0x0]  }
0x127: {  	v2 =	vld [tilespmem:s21+$0x0];
	_ =	sdelay $0x3  }
0x128: {  	v1 =	vshll.u32 v0, $0x4  }
0x129: {  	s22 =	smov.u32 s16;
	v63 =	vshll.u32 v2, $0x4;
	(v2sf) =	vpush v1, $0x0  }
0x12a: {  	p0 =	sne.s32 s16, $0x6000;
	s15 =	sshra.s32 s22, $0x2;
	(v2sf) =	vpush v63, $0x0  }
0x12b: {  	s16 =	sadd.s32 $0x2000, s16;
	s17 =	sadd.s32 $0x6100, s15;
	s4 =	sadd.s32 $0x2380, s15;
	(v2sf) =	vpush v1, $0x1  }
0x12c: {  	s0 =	sadd.s32 $0x2580, s15;
	s3 =	sadd.s32 $0x2100, s15;
	s13 =	sadd.s32 $0x2300, s15  }
0x12d: {  	s23 =	sadd.s32 $0x6600, s15;
	s14 =	sadd.s32 $0x2280, s15;
	s9 =	sadd.s32 $0x6280, s15;
	(v2sf) =	vpush v63, $0x1  }
0x12e: {  	s24 =	sadd.s32 $0x6700, s15;
	s8 =	sadd.s32 $0x6300, s15;
	s5 =	sadd.s32 $0x2780, s15  }
0x12f: {  	s26 =	sadd.s32 $0x6180, s15;
	s31 =	sadd.s32 $0x6200, s15;
	[dreg:$0x9] =	wrdreg s0;
	(v2sf) =	vpush v1, $0x2  }
0x130: {  	s11 =	sadd.s32 $0x6380, s15;
	s10 =	sadd.s32 $0x2400, s15;
	[dreg:$0x5] =	wrdreg s23  }
0x131: {  	s25 =	sadd.s32 $0x6680, s15;
	s2 =	sadd.s32 $0x6780, s15;
	[dreg:$0x10] =	wrdreg s24;
	(v2sf) =	vpush v63, $0x2  }
0x132: {  	s7 =	sadd.s32 $0x6400, s15;
	s6 =	sadd.s32 $0x6580, s15;
	[dreg:$0x7] =	wrdreg s25  }
0x133: {  	s28 =	sadd.s32 $0x2600, s15;
	s29 =	sadd.s32 $0x6500, s15;
	[dreg:$0xd] =	wrdreg s6;
	(v2sf) =	vpush v1, $0x3  }
0x134: {  	s22 =	sadd.s32 $0x6800, s15;
	s0 =	sadd.s32 $0x2200, s15;
	[dreg:$0xb] =	wrdreg s28  }
0x135: {  	s6 =	sadd.s32 $0x2480, s15;
	[dreg:$0xf] =	wrdreg s29;
	s24 =	sadd.s32 $0x2700, s15;
	(v2sf) =	vpush v63, $0x3  }
0x136: {  	s28 =	sadd.s32 $0x2180, s15;
	s23 =	sadd.s32 $0x2800, s15;
	s18 =	sadd.s32 $0x2500, s15  }
0x137: {  	s12 =	sadd.s32 $0x6480, s15;
	s19 =	simm.s32 $0x0;
	[dreg:$0x12] =	wrdreg s18;
	(v2sf) =	vpush v1, $0x4  }
0x138: {  	s20 =	sadd.s32 $0x10, s20;
	s21 =	sadd.s32 $0x10, s21;
	s25 =	spop (v2sf)  }
0x139: {  	s29 =	sand.u32 $0x1FFFFFF0, s25;
	s25 =	sadd.s32 $0x2680, s15;
	s30 =	spop (v2sf);
	(v2sf) =	vpush v63, $0x4  }
0x13a: {  	s29 =	sadd.s32 s1, s29;
	s30 =	sand.u32 $0x1FFFFFF0, s30;
	s18 =	spop (v2sf)  }
0x13b: {  	(v2sf) =	vpush v1, $0x5;
	[tilespmem:s3], [sflag:$0x3] =	stream.linear.gather [hbm4b:s29+s19], $0x80, $0x38;
	[tilespmem:$0x8180] =	vst v63  }
0x13c: {  	s3 =	sadd.s32 s1, s30;
	s18 =	sand.u32 $0x1FFFFFF0, s18;
	s30 =	spop (v2sf);
	(v2sf) =	vpush v63, $0x5  }
0x13d: {  	[tilespmem:s17], [sflag:$0x4] =	stream.linear.gather [hbm4b:s3+s19], $0x80, $0x38;
	[tilespmem:$0x8180] =	vst v63  }
0x13e: {  	s18 =	sadd.s32 s1, s18;
	s29 =	sand.u32 $0x1FFFFFF0, s30;
	s30 =	spop (v2sf);
	(v2sf) =	vpush v1, $0x6  }
0x13f: {  	[tilespmem:s28], [sflag:$0x3] =	stream.linear.gather [hbm4b:s18+s19], $0x80, $0x38;
	[tilespmem:$0x8180] =	vst v63  }
0x140: {  	s28 =	sadd.s32 s1, s29;
	s29 =	sand.u32 $0x1FFFFFF0, s30;
	s30 =	spop (v2sf);
	(v2sf) =	vpush v63, $0x6  }
0x141: {  	[tilespmem:s26], [sflag:$0x4] =	stream.linear.gather [hbm4b:s28+s19], $0x80, $0x38;
	[tilespmem:$0x8180] =	vst v63  }
0x142: {  	s28 =	sadd.s32 s1, s29;
	s29 =	sand.u32 $0x1FFFFFF0, s30;
	s30 =	spop (v2sf);
	(v2sf) =	vpush v1, $0x7  }
0x143: {  	[tilespmem:s0], [sflag:$0x3] =	stream.linear.gather [hbm4b:s28+s19], $0x80, $0x38;
	[tilespmem:$0x8180] =	vst v63  }
0x144: {  	s17 =	sadd.s32 s1, s29;
	s26 =	sand.u32 $0x1FFFFFF0, s30;
	s28 =	spop (v2sf)  }
0x145: {  	(v2sf) =	vpush v63, $0x7;
	[tilespmem:s31], [sflag:$0x4] =	stream.linear.gather [hbm4b:s17+s19], $0x80, $0x38;
	[tilespmem:$0x8180] =	vst v63  }
0x146: {  	s29 =	sadd.s32 s1, s26;
	s30 =	sand.u32 $0x1FFFFFF0, s28;
	s31 =	spop (v2sf)  }
0x147: {  	[tilespmem:s14], [sflag:$0x3] =	stream.linear.gather [hbm4b:s29+s19], $0x80, $0x38;
	[tilespmem:$0x8180] =	vst v63  }
0x148: {  	s18 =	sadd.s32 s1, s30;
	s26 =	sand.u32 $0x1FFFFFF0, s31;
	s28 =	spop (v2sf)  }
0x149: {  	(v2sf) =	vpush v1, $0x8;
	[tilespmem:s9], [sflag:$0x4] =	stream.linear.gather [hbm4b:s18+s19], $0x80, $0x38;
	[tilespmem:$0x8180] =	vst v63  }
0x14a: {  	s29 =	sadd.s32 s1, s26;
	s30 =	sand.u32 $0x1FFFFFF0, s28;
	s31 =	spop (v2sf)  }
0x14b: {  	(v2sf) =	vpush v63, $0x8;
	s14 =	sadd.s32 s1, s30;
	s17 =	sand.u32 $0x1FFFFFF0, s31;
	s18 =	spop (v2sf)  }
0x14c: {  	(v2sf) =	vpush v1, $0x9;
	[tilespmem:s13], [sflag:$0x3] =	stream.linear.gather [hbm4b:s29+s19], $0x80, $0x38;
	[tilespmem:$0x8180] =	vst v63  }
0x14d: {  	s26 =	sadd.s32 s1, s17;
	s28 =	sand.u32 $0x1FFFFFF0, s18;
	s29 =	spop (v2sf)  }
0x14e: {  	[tilespmem:s8], [sflag:$0x4] =	stream.linear.gather [hbm4b:s14+s19], $0x80, $0x38;
	[tilespmem:$0x8180] =	vst v63  }
0x14f: {  	s30 =	sadd.s32 s1, s28;
	s8 =	smov.u32 s2;
	s2 =	spop (v2sf)  }
0x150: {  	(v2sf) =	vpush v63, $0x9;
	[tilespmem:s4], [sflag:$0x3] =	stream.linear.gather [hbm4b:s26+s19], $0x80, $0x38;
	[tilespmem:$0x8180] =	vst v63  }
0x151: {  	s31 =	sand.u32 $0x1FFFFFF0, s29;
	s9 =	sand.u32 $0x1FFFFFF0, s2;
	s13 =	spop (v2sf)  }
0x152: {  	(v2sf) =	vpush v1, $0xA;
	[tilespmem:s11], [sflag:$0x4] =	stream.linear.gather [hbm4b:s30+s19], $0x80, $0x38;
	[tilespmem:$0x8180] =	vst v63  }
0x153: {  	s11 =	smov.u32 s5;
	s5 =	sadd.s32 s1, s31;
	s17 =	sand.u32 $0x1FFFFFF0, s13  }
0x154: {  	(v2sf) =	vpush v63, $0xA;
	s18 =	spop (v2sf);
	s26 =	sadd.s32 s1, s17;
	s17 =	rddreg [dreg:$0xf]  }
0x155: {  	[tilespmem:s10], [sflag:$0x3] =	stream.linear.gather [hbm4b:s5+s19], $0x80, $0x38;
	[tilespmem:$0x8180] =	vst v63  }
0x156: {  	s14 =	sadd.s32 s1, s9;
	s10 =	rddreg [dreg:$0x10];
	s28 =	sand.u32 $0x1FFFFFF0, s18  }
0x157: {  	[tilespmem:s7], [sflag:$0x4] =	stream.linear.gather [hbm4b:s14+s19], $0x80, $0x38;
	[tilespmem:$0x8180] =	vst v63  }
0x158: {  	(v2sf) =	vpush v1, $0xB;
	s29 =	spop (v2sf);
	s30 =	sadd.s32 s1, s28;
	s28 =	rddreg [dreg:$0x9]  }
0x159: {  	[tilespmem:s6], [sflag:$0x3] =	stream.linear.gather [hbm4b:s26+s19], $0x80, $0x38;
	[tilespmem:$0x8180] =	vst v63  }
0x15a: {  	(v2sf) =	vpush v63, $0xB;
	s31 =	sand.u32 $0x1FFFFFF0, s29;
	s7 =	rddreg [dreg:$0x12];
	s2 =	spop (v2sf)  }
0x15b: {  	(v2sf) =	vpush v1, $0xC;
	s3 =	sadd.s32 s1, s31;
	s5 =	sand.u32 $0x1FFFFFF0, s2;
	s6 =	spop (v2sf)  }
0x15c: {  	[tilespmem:s12], [sflag:$0x4] =	stream.linear.gather [hbm4b:s30+s19], $0x80, $0x38;
	[tilespmem:$0x8180] =	vst v63  }
0x15d: {  	(v2sf) =	vpush v63, $0xC;
	s12 =	simm.s32 $0x0;
	s9 =	sadd.s32 s1, s5;
	s13 =	sand.u32 $0x1FFFFFF0, s6  }
0x15e: {  	[tilespmem:s7], [sflag:$0x3] =	stream.linear.gather [hbm4b:s3+s19], $0x80, $0x38;
	[tilespmem:$0x8180] =	vst v63  }
0x15f: {  	s14 =	spop (v2sf);
	s5 =	rddreg [dreg:$0xd];
	s18 =	sadd.s32 s1, s13  }
0x160: {  	[tilespmem:s17], [sflag:$0x4] =	stream.linear.gather [hbm4b:s9+s12], $0x80, $0x38;
	[tilespmem:$0x8180] =	vst v63  }
0x161: {  	s26 =	spop (v2sf);
	s13 =	rddreg [dreg:$0xb];
	s19 =	sand.u32 $0x1FFFFFF0, s14  }
0x162: {  	[tilespmem:s28], [sflag:$0x3] =	stream.linear.gather [hbm4b:s18+s12], $0x80, $0x38;
	[tilespmem:$0x8180] =	vst v63  }
0x163: {  	s30 =	sand.u32 $0x1FFFFFF0, s26;
	s29 =	sadd.s32 s1, s19;
	s31 =	spop (v2sf)  }
0x164: {  	[tilespmem:s5], [sflag:$0x4] =	stream.linear.gather [hbm4b:s29+s12], $0x80, $0x38;
	[tilespmem:$0x8180] =	vst v63  }
0x165: {  	s6 =	sadd.s32 s1, s30;
	s19 =	rddreg [dreg:$0x5];
	s7 =	sand.u32 $0x1FFFFFF0, s31  }
0x166: {  	[tilespmem:s13], [sflag:$0x3] =	stream.linear.gather [hbm4b:s6+s12], $0x80, $0x38;
	[tilespmem:$0x8180] =	vst v63  }
0x167: {  	s31 =	rddreg [dreg:$0x7];
	s9 =	spop (v2sf);
	s14 =	sadd.s32 s1, s7  }
0x168: {  	(v2sf) =	vpush v1, $0xD;
	[tilespmem:s19], [sflag:$0x4] =	stream.linear.gather [hbm4b:s14+s12], $0x80, $0x38;
	[tilespmem:$0x8180] =	vst v63  }
.Ltmp1:
0x169: {  	(v2sf) =	vpush v63, $0xD;
	s17 =	sand.u32 $0x1FFFFFF0, s9;
	s18 =	spop (v2sf);
	(pc) =	sbr.rel @p0 .LBB2_4-.Ltmp1, $4  }
0x16a: {  	(v2sf) =	vpush v1, $0xE;
	s26 =	sadd.s32 s1, s17;
	s28 =	sand.u32 $0x1FFFFFF0, s18;
	s29 =	spop (v2sf)  }
0x16b: {  	(v2sf) =	vpush v63, $0xE;
	[tilespmem:s25], [sflag:$0x3] =	stream.linear.gather [hbm4b:s26+s12], $0x80, $0x38;
	[tilespmem:$0x8180] =	vst v63  }
0x16c: {  	(v2sf) =	vpush v1, $0xF;
	s30 =	sadd.s32 s1, s28;
	s0 =	sand.u32 $0x1FFFFFF0, s29;
	s2 =	spop (v2sf)  }
0x16d: {  	(v2sf) =	vpush v63, $0xF;
	[tilespmem:s31], [sflag:$0x4] =	stream.linear.gather [hbm4b:s30+s12], $0x80, $0x38;
	[tilespmem:$0x8180] =	vst v63  }
0x16e: {  	_ =	sdelay $0x4  }
0x16f: {  	s0 =	sadd.s32 s1, s0;
	s2 =	sand.u32 $0x1FFFFFF0, s2  }
0x170: {  	[tilespmem:s24], [sflag:$0x3] =	stream.linear.gather [hbm4b:s0+s12], $0x80, $0x38;
	[tilespmem:$0x8180] =	vst v63  }
0x171: {  	s6 =	sadd.s32 s1, s2  }
0x172: {  	[tilespmem:s10], [sflag:$0x4] =	stream.linear.gather [hbm4b:s6+s12], $0x80, $0x38;
	[tilespmem:$0x8180] =	vst v63  }
0x173: {  	s3 =	spop (v2sf)  }
0x174: {  	s7 =	sand.u32 $0x1FFFFFF0, s3;
	s9 =	spop (v2sf)  }
0x175: {  	s13 =	sadd.s32 s1, s7;
	s14 =	sand.u32 $0x1FFFFFF0, s9;
	s16 =	spop (v2sf)  }
0x176: {  	[tilespmem:s11], [sflag:$0x3] =	stream.linear.gather [hbm4b:s13+s12], $0x80, $0x38;
	[tilespmem:$0x8180] =	vst v63  }
0x177: {  	s17 =	sadd.s32 s1, s14;
	s18 =	sand.u32 $0x1FFFFFF0, s16;
	s19 =	spop (v2sf)  }
0x178: {  	[tilespmem:s8], [sflag:$0x4] =	stream.linear.gather [hbm4b:s17+s12], $0x80, $0x38;
	[tilespmem:$0x8180] =	vst v63  }
0x179: {  	s20 =	sadd.s32 s1, s18;
	s21 =	sand.u32 $0x1FFFFFF0, s19;
	s24 =	spop (v2sf)  }
0x17a: {  	[tilespmem:s23], [sflag:$0x3] =	stream.linear.gather [hbm4b:s20+s12], $0x80, $0x38;
	[tilespmem:$0x8180] =	vst v63  }
0x17b: {  	s25 =	sadd.s32 s1, s21;
	s26 =	sand.u32 $0x1FFFFFF0, s24;
	s28 =	spop (v2sf)  }
0x17c: {  	[tilespmem:s22], [sflag:$0x4] =	stream.linear.gather [hbm4b:s25+s12], $0x80, $0x38;
	[tilespmem:$0x8180] =	vst v63  }
0x17d: {  	s29 =	sadd.s32 $0x2880, s15;
	s2 =	sadd.s32 s1, s26;
	s3 =	sand.u32 $0x1FFFFFF0, s28  }
0x17e: {  	[tilespmem:s29], [sflag:$0x3] =	stream.linear.gather [hbm4b:s2+s12], $0x80, $0x38;
	[tilespmem:$0x8180] =	vst v63  }
0x17f: {  	s30 =	sadd.s32 $0x6880, s15;
	s31 =	sadd.s32 s1, s3;
	s3 =	simm.s32 $0x1  }
0x180: {  	[tilespmem:s30], [sflag:$0x4] =	stream.linear.gather [hbm4b:s31+s12], $0x80, $0x38;
	[tilespmem:$0x8180] =	vst v63  }
0x181: {  	_ =	swait.ge [sflag:s3], $0x2000  }
0x182: {  	[sflag:s3] =	ssyncset.done $0x0  }
0x183: {  	s4 =	simm.s32 $0x2;
	[sflag:s3] =	ssyncadd.s32 $0xFFFFE000  }
0x184: {  	_ =	swait.ge [sflag:s4], $0x2000  }
0x185: {  	[sflag:s4] =	ssyncset.done $0x0  }
0x186: {  	s0 =	simm.s32 $0x0;
	[sflag:s4] =	ssyncadd.s32 $0xFFFFE000  }
0x187: {  	v0 =	vld [tilespmem:s0+$0x180]  }
0x188: {  	v8 =	vld [tilespmem:s0+$0x4180]  }
0x189: {  	v4 =	vld [tilespmem:s0+$0x190]  }
0x18a: {  	v12 =	vld [tilespmem:s0+$0x4190]  }
0x18b: {  	v1 =	vld [tilespmem:s0+$0x1A0]  }
0x18c: {  	v5 =	vld [tilespmem:s0+$0x41A0]  }
0x18d: {  	v13 =	vld [tilespmem:s0+$0x100]  }
0x18e: {  	v14 =	vld [tilespmem:s0+$0x4100]  }
0x18f: {  	v15 =	vld [tilespmem:s0+$0x110]  }
0x190: {  	v17 =	vld [tilespmem:s0+$0x4110]  }
0x191: {  	v16 =	vld [tilespmem:s0+$0x120]  }
0x192: {  	v10 =	vimm.f32 $0.0e+00;
	v19 =	vld [tilespmem:s0+$0x4120]  }
0x193: {  	v11 =	vimm.f32 $0.0e+00;
	v9 =	vimm.f32 $0.0e+00;
	v7 =	vimm.f32 $0.0e+00;
	s2 =	simm.s32 $0x400;
	v18 =	vld [tilespmem:s0+$0x130]  }
.LBB2_6:
0x194: {  	p0 =	sne.s32 s2, $0x7C00;
	v2 =	vld [tilespmem:s0+$0x4130]  }
0x195: {  	v3 =	vld [tilespmem:s0+$0x1B0]  }
0x196: {  	v6 =	vsub.f32 v0, v8;
	v20 =	vld [tilespmem:s0+$0x41B0];
	s0 =	sshra.s32 s2, $0x2  }
0x197: {  	v13 =	vsub.f32 v13, v14;
	v12 =	vsub.f32 v4, v12;
	v0 =	vld [tilespmem:s0+$0x180]  }
0x198: {  	v14 =	vsub.f32 v15, v17;
	v15 =	vsub.f32 v16, v19;
	v8 =	vld [tilespmem:s0+$0x4180]  }
0x199: {  	v6 =	vmul.f32 v6, v6;
	v16 =	vmul.f32 v12, v12;
	v4 =	vld [tilespmem:s0+$0x190];
	v2 =	vsub.f32 v18, v2  }
0x19a: {  	v17 =	vsub.f32 v1, v5;
	v13 =	vmul.f32 v13, v13;
	v14 =	vmul.f32 v14, v14;
	v12 =	vld [tilespmem:s0+$0x4190]  }
0x19b: {  	v15 =	vmul.f32 v15, v15;
	v1 =	vld [tilespmem:s0+$0x1A0];
	v2 =	vmul.f32 v2, v2;
	v3 =	vsub.f32 v3, v20  }
0x19c: {  	v17 =	vmul.f32 v17, v17;
	v10 =	vadd.f32 v13, v10;
	v11 =	vadd.f32 v14, v11;
	v5 =	vld [tilespmem:s0+$0x41A0]  }
0x19d: {  	v9 =	vadd.f32 v15, v9;
	v13 =	vld [tilespmem:s0+$0x100];
	v2 =	vadd.f32 v2, v7;
	v3 =	vmul.f32 v3, v3  }
0x19e: {  	v10 =	vadd.f32 v6, v10;
	v11 =	vadd.f32 v16, v11;
	v14 =	vld [tilespmem:s0+$0x4100]  }
.Ltmp2:
0x19f: {  	v9 =	vadd.f32 v17, v9;
	v15 =	vld [tilespmem:s0+$0x110];
	v7 =	vadd.f32 v3, v2;
	(pc) =	sbr.rel @p0 .LBB2_6-.Ltmp2, $4  }
0x1a0: {  	v17 =	vld [tilespmem:s0+$0x4110]  }
0x1a1: {  	v16 =	vld [tilespmem:s0+$0x120]  }
0x1a2: {  	v19 =	vld [tilespmem:s0+$0x4120]  }
0x1a3: {  	s2 =	sadd.s32 $0x400, s2;
	v18 =	vld [tilespmem:s0+$0x130]  }
0x1a4: {  	v20 =	vld [tilespmem:s0+$0x4130]  }
0x1a5: {  	v21 =	vld [tilespmem:s0+$0x1B0];
	s30 =	simm.s32 $0x3  }
0x1a6: {  	v22 =	vld [tilespmem:s0+$0x41B0];
	_ =	swait.ge [sflag:s30], $0x2000  }
0x1a7: {  	[sflag:s30] =	ssyncset.done $0x0  }
0x1a8: {  	s31 =	simm.s32 $0x4;
	[sflag:s30] =	ssyncadd.s32 $0xFFFFE000  }
0x1a9: {  	_ =	swait.ge [sflag:s31], $0x2000  }
0x1aa: {  	[sflag:s31] =	ssyncset.done $0x0  }
0x1ab: {  	s0 =	simm.s32 $0x0;
	[sflag:s31] =	ssyncadd.s32 $0xFFFFE000  }
0x1ac: {  	v2 =	vld [tilespmem:s0+$0x2180]  }
0x1ad: {  	v6 =	vld [tilespmem:s0+$0x6180]  }
0x1ae: {  	v3 =	vld [tilespmem:s0+$0x2190]  }
0x1af: {  	v23 =	vsub.f32 v0, v8;
	v8 =	vld [tilespmem:s0+$0x6190]  }
0x1b0: {  	v13 =	vsub.f32 v13, v14;
	v14 =	vsub.f32 v15, v17;
	v0 =	vld [tilespmem:s0+$0x21A0]  }
0x1b1: {  	v15 =	vsub.f32 v4, v12;
	v16 =	vsub.f32 v16, v19;
	v4 =	vld [tilespmem:s0+$0x61A0]  }
0x1b2: {  	v63 =	vmul.f32 v23, v23;
	v17 =	vsub.f32 v18, v20;
	v18 =	vmul.f32 v13, v13;
	v12 =	vld [tilespmem:s0+$0x2100]  }
0x1b3: {  	v1 =	vsub.f32 v1, v5;
	v14 =	vmul.f32 v14, v14;
	v5 =	vmul.f32 v16, v16;
	v13 =	vld [tilespmem:s0+$0x6100]  }
0x1b4: {  	v16 =	vsub.f32 v21, v22;
	v18 =	vadd.f32 v18, v10;
	v17 =	vmul.f32 v17, v17;
	v10 =	vld [tilespmem:s0+$0x2110]  }
0x1b5: {  	v1 =	vmul.f32 v1, v1;
	v15 =	vmul.f32 v15, v15;
	v19 =	vadd.f32 v14, v11;
	v11 =	vld [tilespmem:s0+$0x6110]  }
0x1b6: {  	v5 =	vadd.f32 v5, v9;
	v16 =	vmul.f32 v16, v16;
	v14 =	vld [tilespmem:s0+$0x2120];
	v17 =	vadd.f32 v17, v7  }
0x1b7: {  	v9 =	vadd.f32 v15, v19;
	v15 =	vld [tilespmem:s0+$0x6120];
	v7 =	vadd.f32 v63, v18  }
0x1b8: {  	s2 =	simm.s32 $0x400;
	s5 =	rddreg [dreg:$0x18];
	v5 =	vadd.f32 v1, v5;
	v1 =	vadd.f32 v16, v17;
	v16 =	vld [tilespmem:s0+$0x2130]  }
.LBB2_8:
0x1b9: {  	p0 =	sne.s32 s2, $0x7C00;
	v17 =	vld [tilespmem:s0+$0x6130]  }
0x1ba: {  	v18 =	vld [tilespmem:s0+$0x21B0]  }
0x1bb: {  	v19 =	vsub.f32 v2, v6;
	v20 =	vld [tilespmem:s0+$0x61B0];
	s0 =	sshra.s32 s2, $0x2  }
0x1bc: {  	v12 =	vsub.f32 v12, v13;
	v8 =	vsub.f32 v3, v8;
	v2 =	vld [tilespmem:s0+$0x2180]  }
0x1bd: {  	v10 =	vsub.f32 v10, v11;
	v11 =	vsub.f32 v14, v15;
	v6 =	vld [tilespmem:s0+$0x6180]  }
0x1be: {  	v14 =	vmul.f32 v19, v19;
	v15 =	vmul.f32 v8, v8;
	v3 =	vld [tilespmem:s0+$0x2190];
	v13 =	vsub.f32 v16, v17  }
0x1bf: {  	v12 =	vmul.f32 v12, v12;
	v10 =	vmul.f32 v10, v10;
	v16 =	vsub.f32 v0, v4;
	v8 =	vld [tilespmem:s0+$0x6190]  }
0x1c0: {  	v11 =	vmul.f32 v11, v11;
	v0 =	vld [tilespmem:s0+$0x21A0];
	v13 =	vmul.f32 v13, v13;
	v17 =	vsub.f32 v18, v20  }
0x1c1: {  	v7 =	vadd.f32 v12, v7;
	v9 =	vadd.f32 v10, v9;
	v16 =	vmul.f32 v16, v16;
	v4 =	vld [tilespmem:s0+$0x61A0]  }
0x1c2: {  	v5 =	vadd.f32 v11, v5;
	v12 =	vld [tilespmem:s0+$0x2100];
	v1 =	vadd.f32 v13, v1;
	v11 =	vmul.f32 v17, v17  }
0x1c3: {  	v7 =	vadd.f32 v14, v7;
	v9 =	vadd.f32 v15, v9;
	v13 =	vld [tilespmem:s0+$0x6100]  }
.Ltmp3:
0x1c4: {  	v5 =	vadd.f32 v16, v5;
	v10 =	vld [tilespmem:s0+$0x2110];
	v1 =	vadd.f32 v11, v1;
	(pc) =	sbr.rel @p0 .LBB2_8-.Ltmp3, $4  }
0x1c5: {  	v11 =	vld [tilespmem:s0+$0x6110]  }
0x1c6: {  	v14 =	vld [tilespmem:s0+$0x2120]  }
0x1c7: {  	v15 =	vld [tilespmem:s0+$0x6120]  }
0x1c8: {  	s2 =	sadd.s32 $0x400, s2;
	v16 =	vld [tilespmem:s0+$0x2130]  }
0x1c9: {  	v17 =	vld [tilespmem:s0+$0x6130]  }
0x1ca: {  	v18 =	vld [tilespmem:s0+$0x21B0];
	v12 =	vsub.f32 v12, v13  }
0x1cb: {  	v57 =	vld [tilespmem:s0+$0x61B0];
	v10 =	vsub.f32 v10, v11  }
0x1cc: {  	v2 =	vsub.f32 v2, v6;
	v3 =	vsub.f32 v3, v8;
	v12 =	vmul.f32 v12, v12  }
0x1cd: {  	v0 =	vsub.f32 v0, v4;
	v58 =	vsub.f32 v14, v15;
	v10 =	vmul.f32 v10, v10  }
0x1ce: {  	v2 =	vmul.f32 v2, v2;
	v7 =	vadd.f32 v12, v7;
	v59 =	vsub.f32 v16, v17  }
0x1cf: {  	v3 =	vmul.f32 v3, v3;
	v60 =	vmul.f32 v58, v58;
	v61 =	vadd.f32 v10, v9  }
0x1d0: {  	v6 =	vsub.f32 v18, v57;
	v2 =	vadd.f32 v2, v7;
	v62 =	vmul.f32 v59, v59  }
0x1d1: {  	v0 =	vmul.f32 v0, v0;
	v4 =	vadd.f32 v60, v5;
	v3 =	vadd.f32 v3, v61  }
0x1d2: {  	v1 =	vadd.f32 v62, v1  }
0x1d3: {  	v63 =	vmul.f32 v6, v6;
	v0 =	vadd.f32 v0, v4;
	v2 =	vadd.f32 v3, v2;
	_ =	sdelay $0x1  }
0x1d4: {  	v1 =	vadd.f32 v63, v1;
	v0 =	vadd.f32 v0, v2;
	_ =	sdelay $0x1  }
0x1d5: {  	v0 =	vadd.f32 v1, v0;
	_ =	sdelay $0x1  }
0x1d6: {  	s29 =	rddreg [dreg:$0x16];
	s2 =	simm.s32 $0x8100;
	s30 =	simm.s32 $0x5;
	[tilespmem:$0x8100] =	vst v0  }
0x1d7: {  	[hbm4b:s29+s12] =	stream.linear.scatter [tilespmem:s2], [sflag:$0x5], $0x10, $0x38;
	[tilespmem:$0x8180] =	vst v63  }
0x1d8: {  	_ =	swait.ge [sflag:s30], $0x10  }
0x1d9: {  	s5 =	sadd.s32 $0x1, s5;
	s31 =	rddreg [dreg:$0x17]  }
0x1da: {  	p0 =	sne.s32 s5, s31  }
.Ltmp4:
0x1db: {  	_ = 	snop;
	(pc) =	sbr.rel @p0 .LBB2_1-.Ltmp4, $3  }
0x1dc: {  	_ =	sdelay $0x1  }
0x1dd: {  	[sflag:s30] =	ssyncset.done $0x0  }
0x1de: {  	[sflag:s30] =	ssyncadd.s32 $0xFFFFFFF0  }
0x1df: {  	_ =	sfence.sel $0x180000  }
0x1e0: {  	[bflag:$0x0] =	sbarrier.arrive $0xFFFF  }
0x1e1: {  	_ =	strace $0x90000047  }
0x1e2: {  	s0 =	stileid.u32;
	[bflag:$0x2] =	sbarrier.arrive $0xFFFF  }
0x1e3: {  	p0 =	sne.s32 s0, $0x0;
	s0 =	rddreg [dreg:$0x3]  }
0x1e4: {  	s0 =	sadd.s32 @!p0 $0x100000, s0  }
0x1e5: {  	[sflag:s0] =	ssyncadd.tile.s32 @!p0 $0x1;
	_ =	shalt  }
.Lfunc_end2:
_tile_overlayer_lowered:
.L_overlay_start_2:
0x1e6: {  	(tag) =	ssettag $0x2  }
0x1e7: {  	s0 =	rddreg [dreg:$0x0];
	s2 =	stileid.u32  }
0x1e8: {  	s1 =	rddreg [dreg:$0x1];
	p0 =	sne.s32 s2, $0x0  }
0x1e9: {  	s3 =	rddreg [dreg:$0x2];
	[bflag:$0x3] =	sbarrier.arrive $0xFFFF;
	s2 =	simm.s32 @!p0 $0x1C05  }
0x1ea: {  	[timem:s3], [sflag:s2] =	dma.local @!p0 [hbm:s0], s1  }
0x1eb: {  	s0 =	simm.s32 @!p0 $0x5  }
0x1ec: {  	_ =	swait.ge @!p0 [sflag:s0], s1  }
0x1ed: {  	s1 =	ssub.s32 @!p0 $0x0, s1;
	[sflag:s0] =	ssyncset.done @!p0 $0x0  }
0x1ee: {  	[sflag:s0] =	ssyncadd.s32 @!p0 s1  }
0x1ef: {  	[bflag:$0x3] =	sbarrier.arrive $0xFFFF  }
0x1f0: {  	_ =	shalt  }

</sc_bundles>
